<compile_context>
chip_gen: v7x
topology: tpu7x:2x2x1
jax: 0.10.2.dev20260603
libtpu: 0.0.44.dev20260713+nightly
codegen_flags: <defaults>
</compile_context>

<pallas_src>
import functools

import jax
import jax.numpy as jnp
from jax import lax
from jax.experimental import pallas as pl
from jax.experimental.pallas import tpu as pltpu
from jax.experimental.pallas import tpu_sc as plsc

_N = 5000
_NPAD = 5120
_NVEC = _NPAD // 16
_NCLS = 20
_NW = 32
_SLAB = 25600
_NMS_T = 0.3
_SCORE_T = 0.05
_NC = 2
_IMG_H, _IMG_W = 600.0, 800.0


def _sc_nms_body(probt_hbm, py0_h, px0_h, py1_h, px1_h, par_h, out_hbm,
                 prob_v, y0_v, x0_v, y1_v, x1_v, ar_v,
                 ci, cs, cy0, cx0, cy1, cx1, car, slab, stf, sti):
    w = lax.axis_index("s") * _NC + lax.axis_index("c")
    iota = lax.iota(jnp.int32, 16)
    lane0 = iota == 0
    zf = jnp.zeros((16,), jnp.float32)
    neg = jnp.full((16,), -1.0, jnp.float32)
    sixteen = jnp.full((16,), 16, jnp.int32)
    big = jnp.full((16,), 2 ** 30, jnp.int32)

    pltpu.sync_copy(probt_hbm.at[w], prob_v)
    pltpu.sync_copy(py0_h, y0_v)
    pltpu.sync_copy(px0_h, x0_v)
    pltpu.sync_copy(py1_h, y1_v)
    pltpu.sync_copy(px1_h, x1_v)
    pltpu.sync_copy(par_h, ar_v)

    @plsc.parallel_loop(0, _SLAB, 16, unroll=8)
    def _zero_body(o):
        slab[pl.ds(o, 16)] = zf

    @plsc.parallel_loop(0, _NPAD, 16, unroll=8)
    def _sent_body(o):
        cs[pl.ds(o, 16)] = neg

    ones = jnp.full((16,), 1, jnp.int32)
    zeros_i = jnp.zeros((16,), jnp.int32)

    @plsc.parallel_loop(0, _NPAD, 16, unroll=4, carry=(zeros_i, iota))
    def comp_body(o, acc):
        basev, gi = acc
        p = prob_v[pl.ds(o, 16)]
        m = p > _SCORE_T
        pos = plsc.cumsum(jnp.where(m, ones, zeros_i))
        dst = basev + pos - 1
        plsc.store_scatter(ci, [dst], gi, mask=m)
        plsc.store_scatter(cs, [dst], p, mask=m)
        plsc.store_scatter(cy0, [dst], y0_v[pl.ds(o, 16)], mask=m)
        plsc.store_scatter(cx0, [dst], x0_v[pl.ds(o, 16)], mask=m)
        plsc.store_scatter(cy1, [dst], y1_v[pl.ds(o, 16)], mask=m)
        plsc.store_scatter(cx1, [dst], x1_v[pl.ds(o, 16)], mask=m)
        plsc.store_scatter(car, [dst], ar_v[pl.ds(o, 16)], mask=m)
        return (basev + plsc.all_reduce_population_count(m), gi + sixteen)

    base0, _ = comp_body
    sti[pl.ds(64, 16)] = base0

    am0 = jnp.full((16,), -2.0, jnp.float32)

    def finish_argmax(am, ai):
        m = jnp.max(am)
        mf = jnp.full((16,), m, jnp.float32)
        ii = jnp.min(jnp.where(am >= mf, ai, big))
        stf[pl.ds(16, 16)] = mf
        sti[pl.ds(48, 16)] = jnp.full((16,), ii, jnp.int32)
        return m

    def argmax_pass(nvec):
        @plsc.parallel_loop(0, nvec * 16, 16, unroll=4,
                            carry=(am0, zeros_i, iota))
        def abody(o, acc):
            am, ai, iv = acc
            sv = cs[pl.ds(o, 16)]
            upd = sv > am
            return (jnp.where(upd, sv, am), jnp.where(upd, iv, ai),
                    iv + sixteen)

        am, ai, _ = abody
        return finish_argmax(am, ai)

    def cond(carry):
        return carry[0] > 0.0

    def wbody(carry):
        _, it = carry
        posv = sti[pl.ds(48, 16)]
        mv = stf[pl.ds(16, 16)]
        ky0 = plsc.load_gather(cy0, [posv])
        kx0 = plsc.load_gather(cx0, [posv])
        ky1 = plsc.load_gather(cy1, [posv])
        kx1 = plsc.load_gather(cx1, [posv])
        ka = plsc.load_gather(car, [posv])
        kidx = plsc.load_gather(ci, [posv])

        b5 = kidx * 5
        plsc.store_scatter(slab, [b5], ky0, mask=lane0)
        plsc.store_scatter(slab, [b5 + 1], kx0, mask=lane0)
        plsc.store_scatter(slab, [b5 + 2], ky1, mask=lane0)
        plsc.store_scatter(slab, [b5 + 3], kx1, mask=lane0)
        plsc.store_scatter(slab, [b5 + 4], mv, mask=lane0)
        plsc.store_scatter(cs, [posv], neg, mask=lane0)

        @pl.when((it & 31) == 31)
        def _recompact():
            oldnv = (jnp.max(sti[pl.ds(64, 16)]) + 15) // 16

            def rb(v, basev):
                sl = pl.ds(v * 16, 16)
                sv = cs[sl]
                km = sv > 0.0
                pos = plsc.cumsum(jnp.where(km, ones, zeros_i))
                dst = basev + pos - 1
                plsc.store_scatter(ci, [dst], ci[sl], mask=km)
                plsc.store_scatter(cs, [dst], sv, mask=km)
                plsc.store_scatter(cy0, [dst], cy0[sl], mask=km)
                plsc.store_scatter(cx0, [dst], cx0[sl], mask=km)
                plsc.store_scatter(cy1, [dst], cy1[sl], mask=km)
                plsc.store_scatter(cx1, [dst], cx1[sl], mask=km)
                plsc.store_scatter(car, [dst], car[sl], mask=km)
                return basev + plsc.all_reduce_population_count(km)

            endbase = lax.fori_loop(0, oldnv, rb, zeros_i)
            newv = jnp.max(endbase)
            v0 = newv // 16
            rem = newv - v0 * 16
            bm = iota >= jnp.full((16,), rem, jnp.int32)
            bsl = pl.ds(v0 * 16, 16)
            cs[bsl] = jnp.where(bm, neg, cs[bsl])

            def fb(v, _):
                cs[pl.ds(v * 16, 16)] = neg
                return 0

            lax.fori_loop(v0 + 1, oldnv, fb, 0)
            sti[pl.ds(64, 16)] = jnp.full((16,), newv, jnp.int32)

        nvec = (jnp.max(sti[pl.ds(64, 16)]) + 15) // 16

        @plsc.parallel_loop(0, nvec * 16, 16, unroll=8,
                            carry=(am0, zeros_i, iota))
        def sup(o, acc):
            am, ai, iv = acc
            sl = pl.ds(o, 16)
            sv = cs[sl]
            ty = jnp.maximum(ky0, cy0[sl])
            tx = jnp.maximum(kx0, cx0[sl])
            by = jnp.minimum(ky1, cy1[sl])
            bx = jnp.minimum(kx1, cx1[sl])
            hh = jnp.maximum(by - ty, 0.0)
            ww = jnp.maximum(bx - tx, 0.0)
            inter = hh * ww
            denom = (ka + car[sl]) - inter + 1e-9
            kill = inter > _NMS_T * denom
            nsv = jnp.where(kill, -1.0, sv)
            cs[sl] = nsv
            upd = nsv > am
            return (jnp.where(upd, nsv, am), jnp.where(upd, iv, ai),
                    iv + sixteen)

        am, ai, _ = sup
        return finish_argmax(am, ai), it + 1

    m0 = argmax_pass((jnp.max(sti[pl.ds(64, 16)]) + 15) // 16)
    lax.while_loop(cond, wbody, (m0, jnp.int32(0)))

    @pl.when(w < _NCLS)
    def _write():
        pltpu.sync_copy(slab, out_hbm.at[w])


def _sc_nms(probt, y0, x0, y1, x1, ar):
    mesh = plsc.VectorSubcoreMesh(core_axis_name="c", subcore_axis_name="s")
    f = pl.kernel(
        _sc_nms_body,
        mesh=mesh,
        compiler_params=pltpu.CompilerParams(needs_layout_passes=False),
        out_type=jax.ShapeDtypeStruct((_NCLS, _SLAB), jnp.float32),
        scratch_types=[
            pltpu.VMEM((_NPAD,), jnp.float32),
            pltpu.VMEM((_NPAD,), jnp.float32),
            pltpu.VMEM((_NPAD,), jnp.float32),
            pltpu.VMEM((_NPAD,), jnp.float32),
            pltpu.VMEM((_NPAD,), jnp.float32),
            pltpu.VMEM((_NPAD,), jnp.float32),
            pltpu.VMEM((_NPAD,), jnp.int32),
            pltpu.VMEM((_NPAD,), jnp.float32),
            pltpu.VMEM((_NPAD,), jnp.float32),
            pltpu.VMEM((_NPAD,), jnp.float32),
            pltpu.VMEM((_NPAD,), jnp.float32),
            pltpu.VMEM((_NPAD,), jnp.float32),
            pltpu.VMEM((_NPAD,), jnp.float32),
            pltpu.VMEM((_SLAB,), jnp.float32),
            pltpu.VMEM((32,), jnp.float32),
            pltpu.VMEM((96,), jnp.int32),
        ],
    )
    return f(probt, y0, x0, y1, x1, ar)


def kernel(roi_locs, roi_scores, rois):
    n = rois.shape[0]
    std = jnp.asarray([0.1, 0.1, 0.2, 0.2], jnp.float32)[None, :]
    loc = roi_locs[:, 4:8] * std
    h = rois[:, 2] - rois[:, 0]
    w = rois[:, 3] - rois[:, 1]
    cy = rois[:, 0] + 0.5 * h
    cx = rois[:, 1] + 0.5 * w
    ncy = loc[:, 0] * h + cy
    ncx = loc[:, 1] * w + cx
    nh = jnp.exp(loc[:, 2]) * h
    nw = jnp.exp(loc[:, 3]) * w
    y0 = jnp.clip(ncy - 0.5 * nh, 0.0, _IMG_H)
    x0 = jnp.clip(ncx - 0.5 * nw, 0.0, _IMG_W)
    y1 = jnp.clip(ncy + 0.5 * nh, 0.0, _IMG_H)
    x1 = jnp.clip(ncx + 0.5 * nw, 0.0, _IMG_W)
    area = jnp.clip(y1 - y0, 0.0) * jnp.clip(x1 - x0, 0.0)

    prob = jax.nn.softmax(roi_scores, axis=1)
    probt = jnp.full((_NW, _NPAD), -1.0, jnp.float32)
    probt = probt.at[:_NCLS, :n].set(prob.T[1:_NCLS + 1])

    pad0 = lambda v: jnp.pad(v, (0, _NPAD - n))
    out = _sc_nms(probt, pad0(y0), pad0(x0), pad0(y1), pad0(x1), pad0(area))
    return out[:, :n * 5].reshape(_NCLS, n, 5)

# --- scband reference (transcript-rebuilt; emitter-appended) ---
"""Pipeline reference for scband-rfcn-85306640433491 (READ-ONLY COPY).

The authoritative reference and input builder live on the scoring server;
editing this copy changes nothing except your own understanding.
"""

import jax, jax.numpy as jnp
import numpy as np

CLASS_NUM = 21
N_CLS_REG = 2
NMS_THRESH = 0.3
SCORE_THRESH = 0.05
LOC_MEAN = (0.0, 0.0, 0.0, 0.0)
LOC_STD = (0.1, 0.1, 0.2, 0.2)
IMG_H, IMG_W = 600.0, 800.0
N_BOXES = 5000


def setup_inputs(seed: int = 0):
    key = jax.random.key(seed)
    ks = jax.random.split(key, 6)
    roi_locs = jax.random.normal(ks[0], (N_BOXES, N_CLS_REG * 4), jnp.float32)
    roi_scores = jax.random.normal(ks[1], (N_BOXES, CLASS_NUM), jnp.float32)
    ymin = jax.random.uniform(ks[2], (N_BOXES, 1), jnp.float32) * (IMG_H - 60.0)
    xmin = jax.random.uniform(ks[3], (N_BOXES, 1), jnp.float32) * (IMG_W - 60.0)
    hh = jax.random.uniform(ks[4], (N_BOXES, 1), jnp.float32) * 120.0 + 8.0
    ww = jax.random.uniform(ks[5], (N_BOXES, 1), jnp.float32) * 120.0 + 8.0
    rois = jnp.concatenate([ymin, xmin, ymin + hh, xmin + ww], axis=1)
    return {"roi_locs": roi_locs, "roi_scores": roi_scores, "rois": rois}


def _loc2bbox(src, loc):
    h = src[:, 2] - src[:, 0]
    w = src[:, 3] - src[:, 1]
    cy = src[:, 0] + 0.5 * h
    cx = src[:, 1] + 0.5 * w
    dy, dx, dh, dw = loc[:, 0], loc[:, 1], loc[:, 2], loc[:, 3]
    ncy = dy * h + cy
    ncx = dx * w + cx
    nh = jnp.exp(dh) * h
    nw = jnp.exp(dw) * w
    return jnp.stack([ncy - 0.5 * nh, ncx - 0.5 * nw, ncy + 0.5 * nh, ncx + 0.5 * nw], axis=1)


def _iou_matrix(b):
    tl = jnp.maximum(b[:, None, :2], b[None, :, :2])
    br = jnp.minimum(b[:, None, 2:], b[None, :, 2:])
    wh = jnp.clip(br - tl, 0.0)
    inter = wh[..., 0] * wh[..., 1]
    area = jnp.clip(b[:, 2] - b[:, 0], 0.0) * jnp.clip(b[:, 3] - b[:, 1], 0.0)
    return inter / (area[:, None] + area[None, :] - inter + 1e-9)


def _greedy_nms(iou, scores, valid):
    n = scores.shape[0]
    order = jnp.argsort(-jnp.where(valid, scores, -jnp.inf))
    iou_s = iou[order][:, order]
    valid_s = valid[order]
    idx = jnp.arange(n)

    def body(i, keep):
        sup = (iou_s[i] > NMS_THRESH) & (idx > i) & keep[i]
        return keep & (~sup)

    keep = jax.lax.fori_loop(0, n, body, valid_s)
    return jnp.zeros(n, dtype=bool).at[order].set(keep)


def reference(roi_locs, roi_scores, rois):
    n = rois.shape[0]
    mean = jnp.tile(jnp.asarray(LOC_MEAN, jnp.float32), N_CLS_REG)[None, :]
    std = jnp.tile(jnp.asarray(LOC_STD, jnp.float32), N_CLS_REG)[None, :]
    loc = (roi_locs * std + mean).reshape(-1, N_CLS_REG, 4)
    src = jnp.broadcast_to(rois[:, None, :], loc.shape).reshape(-1, 4)
    bbox = _loc2bbox(src, loc.reshape(-1, 4)).reshape(n, N_CLS_REG, 2, 2)
    yy = jnp.clip(bbox[..., 0], 0.0, IMG_H)
    xx = jnp.clip(bbox[..., 1], 0.0, IMG_W)
    bbox = jnp.stack([yy, xx], axis=-1).reshape(n, N_CLS_REG, 4)
    prob = jax.nn.softmax(roi_scores, axis=1)
    bbox_shared = bbox[:, 1, :]
    iou = _iou_matrix(bbox_shared)

    def per_class(l):
        prob_l = prob[:, l]
        valid = prob_l > SCORE_THRESH
        keep = _greedy_nms(iou, prob_l, valid)
        kf = keep.astype(jnp.float32)
        return jnp.concatenate([bbox_shared * kf[:, None], (prob_l * kf)[:, None]], axis=1)

    return jax.lax.map(per_class, jnp.arange(1, CLASS_NUM))

if __name__ == "__main__":
    import jax
    _d = setup_inputs()
    print(jax.jit(kernel)(*tuple(_d.values())))

</pallas_src>

<mosaic_0001>
#map = affine_map<(d0, d1) -> (0, 0)>
#map1 = affine_map<(d0, d1) -> (0)>
module attributes {stable_mosaic.version = 14 : i64} {
  func.func @_sc_nms_body(%arg0: i32, %arg1: i32, %arg2: memref<32x5120xf32, #tpu.memory_space<hbm>>, %arg3: memref<5120xf32, #tpu.memory_space<hbm>>, %arg4: memref<5120xf32, #tpu.memory_space<hbm>>, %arg5: memref<5120xf32, #tpu.memory_space<hbm>>, %arg6: memref<5120xf32, #tpu.memory_space<hbm>>, %arg7: memref<5120xf32, #tpu.memory_space<hbm>>, %arg8: memref<20x25600xf32, #tpu.memory_space<hbm>>, %arg9: memref<5120xf32, #tpu.memory_space<vmem>>, %arg10: memref<5120xf32, #tpu.memory_space<vmem>>, %arg11: memref<5120xf32, #tpu.memory_space<vmem>>, %arg12: memref<5120xf32, #tpu.memory_space<vmem>>, %arg13: memref<5120xf32, #tpu.memory_space<vmem>>, %arg14: memref<5120xf32, #tpu.memory_space<vmem>>, %arg15: memref<5120xi32, #tpu.memory_space<vmem>>, %arg16: memref<5120xf32, #tpu.memory_space<vmem>>, %arg17: memref<5120xf32, #tpu.memory_space<vmem>>, %arg18: memref<5120xf32, #tpu.memory_space<vmem>>, %arg19: memref<5120xf32, #tpu.memory_space<vmem>>, %arg20: memref<5120xf32, #tpu.memory_space<vmem>>, %arg21: memref<5120xf32, #tpu.memory_space<vmem>>, %arg22: memref<25600xf32, #tpu.memory_space<vmem>>, %arg23: memref<32xf32, #tpu.memory_space<vmem>>, %arg24: memref<96xi32, #tpu.memory_space<vmem>>) attributes {dimension_semantics = [#tpu.dimension_semantics<core_parallel>, #tpu.dimension_semantics<subcore_parallel>], iteration_bounds = array<i64: 2, 16>, scalar_prefetch = 0 : i64, scratch_operands = 16 : i64, tpu.core_type = #tpu.core_type<sc_vector_subcore>, window_params = [{transform_indices = #map}, {transform_indices = #map1}, {transform_indices = #map1}, {transform_indices = #map1}, {transform_indices = #map1}, {transform_indices = #map1}, {transform_indices = #map}]} {
    %mul3A = arith.constant 2 : i32
    %mul3A_0 = arith.muli %arg1, %mul3A : i32
    %add3A = arith.addi %mul3A_0, %arg0 : i32
    %iota3A = tpu.iota {dimensions = array<i32: 0>} : vector<16xi32>
    %eq3A = arith.constant 0 : i32
    %eq3A_1 = vector.broadcast %eq3A : i32 to vector<16xi32>
    %eq3A_2 = arith.cmpi eq, %iota3A, %eq3A_1 : vector<16xi32>
    %broadcast_in_dim3A = arith.constant 0.000000e+00 : f32
    %broadcast_in_dim3A_3 = vector.broadcast %broadcast_in_dim3A : f32 to vector<16xf32>
    %broadcast_in_dim3A_4 = arith.constant -1.000000e+00 : f32
    %broadcast_in_dim3A_5 = vector.broadcast %broadcast_in_dim3A_4 : f32 to vector<16xf32>
    %broadcast_in_dim3A_6 = arith.constant 16 : i32
    %broadcast_in_dim3A_7 = vector.broadcast %broadcast_in_dim3A_6 : i32 to vector<16xi32>
    %broadcast_in_dim3A_8 = arith.constant 1073741824 : i32
    %broadcast_in_dim3A_9 = vector.broadcast %broadcast_in_dim3A_8 : i32 to vector<16xi32>
    "tpu.region"() ({
      %run_scoped3A = tpu.sem_alloc : memref<!tpu.dma_semaphore, #tpu.memory_space<semaphore_mem>>
      %dma_start3A = arith.constant 0 : i32
      %dma_start3A_78 = tpu.memref_slice %arg2[%add3A, %dma_start3A] : memref<32x5120xf32, #tpu.memory_space<hbm>> -> memref<1x5120xf32, #tpu.memory_space<hbm>>
      %dma_start3A_79 = tpu.memref_squeeze %dma_start3A_78 : memref<1x5120xf32, #tpu.memory_space<hbm>> -> memref<5120xf32, #tpu.memory_space<hbm>>
      %dma_start3A_80 = arith.constant 0 : i32
      %dma_start3A_81 = tpu.memref_slice %arg2[%add3A, %dma_start3A_80] : memref<32x5120xf32, #tpu.memory_space<hbm>> -> memref<1x5120xf32, #tpu.memory_space<hbm>>
      %dma_start3A_82 = tpu.memref_squeeze %dma_start3A_81 : memref<1x5120xf32, #tpu.memory_space<hbm>> -> memref<5120xf32, #tpu.memory_space<hbm>>
      tpu.enqueue_dma source(%dma_start3A_82 : memref<5120xf32, #tpu.memory_space<hbm>>) target(%arg9 : memref<5120xf32, #tpu.memory_space<vmem>>) target_semaphore(%run_scoped3A : memref<!tpu.dma_semaphore, #tpu.memory_space<semaphore_mem>>)
      %dma_wait3A = arith.constant 0 : i32
      %dma_wait3A_83 = tpu.memref_slice %arg2[%add3A, %dma_wait3A] : memref<32x5120xf32, #tpu.memory_space<hbm>> -> memref<1x5120xf32, #tpu.memory_space<hbm>>
      %dma_wait3A_84 = tpu.memref_squeeze %dma_wait3A_83 : memref<1x5120xf32, #tpu.memory_space<hbm>> -> memref<5120xf32, #tpu.memory_space<hbm>>
      %dma_wait3A_85 = arith.constant 0 : i32
      %dma_wait3A_86 = tpu.memref_slice %arg2[%add3A, %dma_wait3A_85] : memref<32x5120xf32, #tpu.memory_space<hbm>> -> memref<1x5120xf32, #tpu.memory_space<hbm>>
      %dma_wait3A_87 = tpu.memref_squeeze %dma_wait3A_86 : memref<1x5120xf32, #tpu.memory_space<hbm>> -> memref<5120xf32, #tpu.memory_space<hbm>>
      tpu.wait_dma2 semaphore(%run_scoped3A : memref<!tpu.dma_semaphore, #tpu.memory_space<semaphore_mem>>) src(%dma_wait3A_87 : memref<5120xf32, #tpu.memory_space<hbm>>) dst(%arg9 : memref<5120xf32, #tpu.memory_space<vmem>>)
      tpu.yield
    }) : () -> ()
    "tpu.region"() ({
      %run_scoped3A = tpu.sem_alloc : memref<!tpu.dma_semaphore, #tpu.memory_space<semaphore_mem>>
      tpu.enqueue_dma source(%arg3 : memref<5120xf32, #tpu.memory_space<hbm>>) target(%arg10 : memref<5120xf32, #tpu.memory_space<vmem>>) target_semaphore(%run_scoped3A : memref<!tpu.dma_semaphore, #tpu.memory_space<semaphore_mem>>)
      tpu.wait_dma2 semaphore(%run_scoped3A : memref<!tpu.dma_semaphore, #tpu.memory_space<semaphore_mem>>) src(%arg3 : memref<5120xf32, #tpu.memory_space<hbm>>) dst(%arg10 : memref<5120xf32, #tpu.memory_space<vmem>>)
      tpu.yield
    }) : () -> ()
    "tpu.region"() ({
      %run_scoped3A = tpu.sem_alloc : memref<!tpu.dma_semaphore, #tpu.memory_space<semaphore_mem>>
      tpu.enqueue_dma source(%arg4 : memref<5120xf32, #tpu.memory_space<hbm>>) target(%arg11 : memref<5120xf32, #tpu.memory_space<vmem>>) target_semaphore(%run_scoped3A : memref<!tpu.dma_semaphore, #tpu.memory_space<semaphore_mem>>)
      tpu.wait_dma2 semaphore(%run_scoped3A : memref<!tpu.dma_semaphore, #tpu.memory_space<semaphore_mem>>) src(%arg4 : memref<5120xf32, #tpu.memory_space<hbm>>) dst(%arg11 : memref<5120xf32, #tpu.memory_space<vmem>>)
      tpu.yield
    }) : () -> ()
    "tpu.region"() ({
      %run_scoped3A = tpu.sem_alloc : memref<!tpu.dma_semaphore, #tpu.memory_space<semaphore_mem>>
      tpu.enqueue_dma source(%arg5 : memref<5120xf32, #tpu.memory_space<hbm>>) target(%arg12 : memref<5120xf32, #tpu.memory_space<vmem>>) target_semaphore(%run_scoped3A : memref<!tpu.dma_semaphore, #tpu.memory_space<semaphore_mem>>)
      tpu.wait_dma2 semaphore(%run_scoped3A : memref<!tpu.dma_semaphore, #tpu.memory_space<semaphore_mem>>) src(%arg5 : memref<5120xf32, #tpu.memory_space<hbm>>) dst(%arg12 : memref<5120xf32, #tpu.memory_space<vmem>>)
      tpu.yield
    }) : () -> ()
    "tpu.region"() ({
      %run_scoped3A = tpu.sem_alloc : memref<!tpu.dma_semaphore, #tpu.memory_space<semaphore_mem>>
      tpu.enqueue_dma source(%arg6 : memref<5120xf32, #tpu.memory_space<hbm>>) target(%arg13 : memref<5120xf32, #tpu.memory_space<vmem>>) target_semaphore(%run_scoped3A : memref<!tpu.dma_semaphore, #tpu.memory_space<semaphore_mem>>)
      tpu.wait_dma2 semaphore(%run_scoped3A : memref<!tpu.dma_semaphore, #tpu.memory_space<semaphore_mem>>) src(%arg6 : memref<5120xf32, #tpu.memory_space<hbm>>) dst(%arg13 : memref<5120xf32, #tpu.memory_space<vmem>>)
      tpu.yield
    }) : () -> ()
    "tpu.region"() ({
      %run_scoped3A = tpu.sem_alloc : memref<!tpu.dma_semaphore, #tpu.memory_space<semaphore_mem>>
      tpu.enqueue_dma source(%arg7 : memref<5120xf32, #tpu.memory_space<hbm>>) target(%arg14 : memref<5120xf32, #tpu.memory_space<vmem>>) target_semaphore(%run_scoped3A : memref<!tpu.dma_semaphore, #tpu.memory_space<semaphore_mem>>)
      tpu.wait_dma2 semaphore(%run_scoped3A : memref<!tpu.dma_semaphore, #tpu.memory_space<semaphore_mem>>) src(%arg7 : memref<5120xf32, #tpu.memory_space<hbm>>) dst(%arg14 : memref<5120xf32, #tpu.memory_space<vmem>>)
      tpu.yield
    }) : () -> ()
    %parallel_loop3A = arith.constant 0 : i32
    %parallel_loop3A_10 = arith.constant 25600 : i32
    %parallel_loop3A_11 = arith.constant 16 : i32
    scf.for %parallel_loop3A_78 = %parallel_loop3A to %parallel_loop3A_10 step %parallel_loop3A_11  : i32 {
      %parallel_loop3A_79 = arith.index_cast %parallel_loop3A_78 : i32 to index
      %parallel_loop3A_80 = tpu.vector_load %arg22[%parallel_loop3A_79] {strides = array<i32>} : memref<25600xf32, #tpu.memory_space<vmem>>, vector<16xf32>,
      tpu.vector_store %arg22[%parallel_loop3A_79], %broadcast_in_dim3A_3 {strides = array<i32>} : memref<25600xf32, #tpu.memory_space<vmem>>, vector<16xf32>,
    } {sc.loop_unroll_factor = 8 : i64, sc.parallel_access}
    %parallel_loop3A_12 = arith.constant 0 : i32
    %parallel_loop3A_13 = arith.constant 5120 : i32
    %parallel_loop3A_14 = arith.constant 16 : i32
    scf.for %parallel_loop3A_78 = %parallel_loop3A_12 to %parallel_loop3A_13 step %parallel_loop3A_14  : i32 {
      %parallel_loop3A_79 = arith.index_cast %parallel_loop3A_78 : i32 to index
      %parallel_loop3A_80 = tpu.vector_load %arg16[%parallel_loop3A_79] {strides = array<i32>} : memref<5120xf32, #tpu.memory_space<vmem>>, vector<16xf32>,
      tpu.vector_store %arg16[%parallel_loop3A_79], %broadcast_in_dim3A_5 {strides = array<i32>} : memref<5120xf32, #tpu.memory_space<vmem>>, vector<16xf32>,
    } {sc.loop_unroll_factor = 8 : i64, sc.parallel_access}
    %broadcast_in_dim3A_15 = arith.constant 1 : i32
    %broadcast_in_dim3A_16 = vector.broadcast %broadcast_in_dim3A_15 : i32 to vector<16xi32>
    %broadcast_in_dim3A_17 = arith.constant 0 : i32
    %broadcast_in_dim3A_18 = vector.broadcast %broadcast_in_dim3A_17 : i32 to vector<16xi32>
    %parallel_loop3A_19 = arith.constant 0 : i32
    %parallel_loop3A_20 = arith.constant 5120 : i32
    %parallel_loop3A_21 = arith.constant 16 : i32
    %parallel_loop3A_22:2 = scf.for %parallel_loop3A_78 = %parallel_loop3A_19 to %parallel_loop3A_20 step %parallel_loop3A_21 iter_args(%parallel_loop3A_79 = %broadcast_in_dim3A_18, %parallel_loop3A_80 = %iota3A) -> (vector<16xi32>, vector<16xi32>)  : i32 {
      %parallel_loop3A_81 = arith.index_cast %parallel_loop3A_78 : i32 to index
      %parallel_loop3A_82 = tpu.vector_load %arg9[%parallel_loop3A_81] {strides = array<i32>} : memref<5120xf32, #tpu.memory_space<vmem>>, vector<16xf32>,
      %parallel_loop3A_83 = arith.constant 5.000000e-02 : f32
      %parallel_loop3A_84 = vector.broadcast %parallel_loop3A_83 : f32 to vector<16xf32>
      %parallel_loop3A_85 = arith.cmpf ogt, %parallel_loop3A_82, %parallel_loop3A_84 : vector<16xf32>
      %parallel_loop3A_86 = arith.select %parallel_loop3A_85, %broadcast_in_dim3A_16, %broadcast_in_dim3A_18 : vector<16xi1>, vector<16xi32>
      %parallel_loop3A_87 = arith.constant true
      %parallel_loop3A_88 = vector.broadcast %parallel_loop3A_87 : i1 to vector<16xi1>
      %parallel_loop3A_89 = tpu.scan <sum>, %parallel_loop3A_86 masked %parallel_loop3A_88 : vector<16xi32>, vector<16xi1> -> vector<16xi32>
      %parallel_loop3A_90 = arith.addi %parallel_loop3A_79, %parallel_loop3A_89 : vector<16xi32>
      %parallel_loop3A_91 = arith.constant 1 : i32
      %parallel_loop3A_92 = vector.broadcast %parallel_loop3A_91 : i32 to vector<16xi32>
      %parallel_loop3A_93 = arith.subi %parallel_loop3A_90, %parallel_loop3A_92 : vector<16xi32>
      tpu.vector_store_idx %arg15[%parallel_loop3A_93], %parallel_loop3A_80 masked %parallel_loop3A_85 : memref<5120xi32, #tpu.memory_space<vmem>>[vector<16xi32>], vector<16xi32>, vector<16xi1>
      tpu.vector_store_idx %arg16[%parallel_loop3A_93], %parallel_loop3A_82 masked %parallel_loop3A_85 : memref<5120xf32, #tpu.memory_space<vmem>>[vector<16xi32>], vector<16xf32>, vector<16xi1>
      %parallel_loop3A_94 = arith.index_cast %parallel_loop3A_78 : i32 to index
      %parallel_loop3A_95 = tpu.vector_load %arg10[%parallel_loop3A_94] {strides = array<i32>} : memref<5120xf32, #tpu.memory_space<vmem>>, vector<16xf32>,
      tpu.vector_store_idx %arg17[%parallel_loop3A_93], %parallel_loop3A_95 masked %parallel_loop3A_85 : memref<5120xf32, #tpu.memory_space<vmem>>[vector<16xi32>], vector<16xf32>, vector<16xi1>
      %parallel_loop3A_96 = arith.index_cast %parallel_loop3A_78 : i32 to index
      %parallel_loop3A_97 = tpu.vector_load %arg11[%parallel_loop3A_96] {strides = array<i32>} : memref<5120xf32, #tpu.memory_space<vmem>>, vector<16xf32>,
      tpu.vector_store_idx %arg18[%parallel_loop3A_93], %parallel_loop3A_97 masked %parallel_loop3A_85 : memref<5120xf32, #tpu.memory_space<vmem>>[vector<16xi32>], vector<16xf32>, vector<16xi1>
      %parallel_loop3A_98 = arith.index_cast %parallel_loop3A_78 : i32 to index
      %parallel_loop3A_99 = tpu.vector_load %arg12[%parallel_loop3A_98] {strides = array<i32>} : memref<5120xf32, #tpu.memory_space<vmem>>, vector<16xf32>,
      tpu.vector_store_idx %arg19[%parallel_loop3A_93], %parallel_loop3A_99 masked %parallel_loop3A_85 : memref<5120xf32, #tpu.memory_space<vmem>>[vector<16xi32>], vector<16xf32>, vector<16xi1>
      %parallel_loop3A_100 = arith.index_cast %parallel_loop3A_78 : i32 to index
      %parallel_loop3A_101 = tpu.vector_load %arg13[%parallel_loop3A_100] {strides = array<i32>} : memref<5120xf32, #tpu.memory_space<vmem>>, vector<16xf32>,
      tpu.vector_store_idx %arg20[%parallel_loop3A_93], %parallel_loop3A_101 masked %parallel_loop3A_85 : memref<5120xf32, #tpu.memory_space<vmem>>[vector<16xi32>], vector<16xf32>, vector<16xi1>
      %parallel_loop3A_102 = arith.index_cast %parallel_loop3A_78 : i32 to index
      %parallel_loop3A_103 = tpu.vector_load %arg14[%parallel_loop3A_102] {strides = array<i32>} : memref<5120xf32, #tpu.memory_space<vmem>>, vector<16xf32>,
      tpu.vector_store_idx %arg21[%parallel_loop3A_93], %parallel_loop3A_103 masked %parallel_loop3A_85 : memref<5120xf32, #tpu.memory_space<vmem>>[vector<16xi32>], vector<16xf32>, vector<16xi1>
      %parallel_loop3A_104 = tpu.all_reduce %parallel_loop3A_85 {dim = 0 : i64, kind = #tpu.reduction_kind<sum>} : vector<16xi1> -> vector<16xi32>
      %parallel_loop3A_105 = arith.addi %parallel_loop3A_79, %parallel_loop3A_104 : vector<16xi32>
      %parallel_loop3A_106 = arith.addi %parallel_loop3A_80, %broadcast_in_dim3A_7 : vector<16xi32>
      scf.yield %parallel_loop3A_105, %parallel_loop3A_106 : vector<16xi32>, vector<16xi32>
    } {sc.loop_unroll_factor = 4 : i64, sc.parallel_access}
    %swap3A = arith.constant 64 : index
    %swap3A_23 = tpu.vector_load %arg24[%swap3A] {strides = array<i32>} : memref<96xi32, #tpu.memory_space<vmem>>, vector<16xi32>,
    tpu.vector_store %arg24[%swap3A], %parallel_loop3A_22#0 {strides = array<i32>} : memref<96xi32, #tpu.memory_space<vmem>>, vector<16xi32>,
    %broadcast_in_dim3A_24 = arith.constant -2.000000e+00 : f32
    %broadcast_in_dim3A_25 = vector.broadcast %broadcast_in_dim3A_24 : f32 to vector<16xf32>
    %get3A = arith.constant 64 : index
    %get3A_26 = tpu.vector_load %arg24[%get3A] {strides = array<i32>} : memref<96xi32, #tpu.memory_space<vmem>>, vector<16xi32>,
    %reduce_max3A = arith.constant true
    %reduce_max3A_27 = vector.broadcast %reduce_max3A : i1 to vector<16xi1>
    %reduce_max3A_28 = arith.constant -2147483648 : i32
    %reduce_max3A_29 = vector.broadcast %reduce_max3A_28 : i32 to vector<16xi32>
    %reduce_max3A_30 = arith.xori %get3A_26, %reduce_max3A_29 : vector<16xi32>
    %reduce_max3A_31 = tpu.scan <max>, %reduce_max3A_30 masked %reduce_max3A_27 : vector<16xi32>, vector<16xi1> -> vector<16xi32>
    %reduce_max3A_32 = arith.xori %reduce_max3A_31, %reduce_max3A_29 : vector<16xi32>
    %reduce_max3A_33 = vector.extract %reduce_max3A_32[15] : i32 from vector<16xi32>
    %add3A_34 = arith.constant 15 : i32
    %add3A_35 = arith.addi %reduce_max3A_33, %add3A_34 : i32
    %jit3A = arith.constant 16 : i32
    %div3A = arith.divsi %add3A_35, %jit3A : i32
    %sign3A = arith.constant 0 : i32
    %sign3A_36 = arith.cmpi sgt, %add3A_35, %sign3A : i32
    %sign3A_37 = arith.extui %sign3A_36 : i1 to i32
    %sign3A_38 = arith.constant 0 : i32
    %sign3A_39 = arith.cmpi slt, %add3A_35, %sign3A_38 : i32
    %sign3A_40 = arith.extui %sign3A_39 : i1 to i32
    %sign3A_41 = arith.subi %sign3A_37, %sign3A_40 : i32
    %sign3A_42 = arith.constant 0 : i32
    %sign3A_43 = arith.cmpi sgt, %jit3A, %sign3A_42 : i32
    %sign3A_44 = arith.extui %sign3A_43 : i1 to i32
    %sign3A_45 = arith.constant 0 : i32
    %sign3A_46 = arith.cmpi slt, %jit3A, %sign3A_45 : i32
    %sign3A_47 = arith.extui %sign3A_46 : i1 to i32
    %sign3A_48 = arith.subi %sign3A_44, %sign3A_47 : i32
    %ne3A = arith.cmpi ne, %sign3A_41, %sign3A_48 : i32
    %rem3A = arith.remsi %add3A_35, %jit3A : i32
    %ne3A_49 = arith.constant 0 : i32
    %ne3A_50 = arith.cmpi ne, %rem3A, %ne3A_49 : i32
    %and3A = arith.andi %ne3A, %ne3A_50 : i1
    %sub3A = arith.constant 1 : i32
    %sub3A_51 = arith.subi %div3A, %sub3A : i32
    %select_n3A = arith.select %and3A, %sub3A_51, %div3A : i32
    %mul3A_52 = arith.constant 16 : i32
    %mul3A_53 = arith.muli %select_n3A, %mul3A_52 : i32
    %parallel_loop3A_54 = arith.constant 0 : i32
    %parallel_loop3A_55 = arith.constant 16 : i32
    %parallel_loop3A_56:3 = scf.for %parallel_loop3A_78 = %parallel_loop3A_54 to %mul3A_53 step %parallel_loop3A_55 iter_args(%parallel_loop3A_79 = %broadcast_in_dim3A_25, %parallel_loop3A_80 = %broadcast_in_dim3A_18, %parallel_loop3A_81 = %iota3A) -> (vector<16xf32>, vector<16xi32>, vector<16xi32>)  : i32 {
      %parallel_loop3A_82 = arith.index_cast %parallel_loop3A_78 : i32 to index
      %parallel_loop3A_83 = tpu.vector_load %arg16[%parallel_loop3A_82] {strides = array<i32>} : memref<5120xf32, #tpu.memory_space<vmem>>, vector<16xf32>,
      %parallel_loop3A_84 = arith.cmpf ogt, %parallel_loop3A_83, %parallel_loop3A_79 : vector<16xf32>
      %parallel_loop3A_85 = arith.select %parallel_loop3A_84, %parallel_loop3A_83, %parallel_loop3A_79 : vector<16xi1>, vector<16xf32>
      %parallel_loop3A_86 = arith.select %parallel_loop3A_84, %parallel_loop3A_81, %parallel_loop3A_80 : vector<16xi1>, vector<16xi32>
      %parallel_loop3A_87 = arith.addi %parallel_loop3A_81, %broadcast_in_dim3A_7 : vector<16xi32>
      scf.yield %parallel_loop3A_85, %parallel_loop3A_86, %parallel_loop3A_87 : vector<16xf32>, vector<16xi32>, vector<16xi32>
    } {sc.loop_unroll_factor = 4 : i64, sc.parallel_access}
    %reduce_max3A_57 = arith.constant true
    %reduce_max3A_58 = vector.broadcast %reduce_max3A_57 : i1 to vector<16xi1>
    %reduce_max3A_59 = tpu.scan <max>, %parallel_loop3A_56#0 masked %reduce_max3A_58 : vector<16xf32>, vector<16xi1> -> vector<16xf32>
    %reduce_max3A_60 = vector.extract %reduce_max3A_59[15] : f32 from vector<16xf32>
    %broadcast_in_dim3A_61 = vector.broadcast %reduce_max3A_60 : f32 to vector<16xf32>
    %ge3A = arith.cmpf oge, %parallel_loop3A_56#0, %broadcast_in_dim3A_61 : vector<16xf32>
    %select_n3A_62 = arith.select %ge3A, %parallel_loop3A_56#1, %broadcast_in_dim3A_9 : vector<16xi1>, vector<16xi32>
    %reduce_min3A = arith.constant true
    %reduce_min3A_63 = vector.broadcast %reduce_min3A : i1 to vector<16xi1>
    %reduce_min3A_64 = arith.constant -2147483648 : i32
    %reduce_min3A_65 = vector.broadcast %reduce_min3A_64 : i32 to vector<16xi32>
    %reduce_min3A_66 = arith.xori %select_n3A_62, %reduce_min3A_65 : vector<16xi32>
    %reduce_min3A_67 = tpu.scan <min>, %reduce_min3A_66 masked %reduce_min3A_63 : vector<16xi32>, vector<16xi1> -> vector<16xi32>
    %reduce_min3A_68 = arith.xori %reduce_min3A_67, %reduce_min3A_65 : vector<16xi32>
    %reduce_min3A_69 = vector.extract %reduce_min3A_68[15] : i32 from vector<16xi32>
    %swap3A_70 = arith.constant 16 : index
    %swap3A_71 = tpu.vector_load %arg23[%swap3A_70] {strides = array<i32>} : memref<32xf32, #tpu.memory_space<vmem>>, vector<16xf32>,
    tpu.vector_store %arg23[%swap3A_70], %broadcast_in_dim3A_61 {strides = array<i32>} : memref<32xf32, #tpu.memory_space<vmem>>, vector<16xf32>,
    %broadcast_in_dim3A_72 = vector.broadcast %reduce_min3A_69 : i32 to vector<16xi32>
    %swap3A_73 = arith.constant 48 : index
    %swap3A_74 = tpu.vector_load %arg24[%swap3A_73] {strides = array<i32>} : memref<96xi32, #tpu.memory_space<vmem>>, vector<16xi32>,
    tpu.vector_store %arg24[%swap3A_73], %broadcast_in_dim3A_72 {strides = array<i32>} : memref<96xi32, #tpu.memory_space<vmem>>, vector<16xi32>,
    %while3A = arith.constant 0 : i32
    %while3A_75:2 = scf.while (%while3A_78 = %reduce_max3A_60, %while3A_79 = %while3A) : (f32, i32) -> (f32, i32) {
      %gt3A = arith.constant 0.000000e+00 : f32
      %gt3A_80 = arith.cmpf ogt, %while3A_78, %gt3A : f32
      scf.condition(%gt3A_80) %while3A_78, %while3A_79 : f32, i32
    } do {
    ^bb0(%while3A_78: f32, %while3A_79: i32):
      %get3A_80 = arith.constant 48 : index
      %get3A_81 = tpu.vector_load %arg24[%get3A_80] {strides = array<i32>} : memref<96xi32, #tpu.memory_space<vmem>>, vector<16xi32>,
      %get3A_82 = arith.constant 16 : index
      %get3A_83 = tpu.vector_load %arg23[%get3A_82] {strides = array<i32>} : memref<32xf32, #tpu.memory_space<vmem>>, vector<16xf32>,
      %gather3A = tpu.vector_load_idx %arg17[%get3A_81] : memref<5120xf32, #tpu.memory_space<vmem>>[vector<16xi32>], vector<16xf32>,
      %gather3A_84 = tpu.vector_load_idx %arg18[%get3A_81] : memref<5120xf32, #tpu.memory_space<vmem>>[vector<16xi32>], vector<16xf32>,
      %gather3A_85 = tpu.vector_load_idx %arg19[%get3A_81] : memref<5120xf32, #tpu.memory_space<vmem>>[vector<16xi32>], vector<16xf32>,
      %gather3A_86 = tpu.vector_load_idx %arg20[%get3A_81] : memref<5120xf32, #tpu.memory_space<vmem>>[vector<16xi32>], vector<16xf32>,
      %gather3A_87 = tpu.vector_load_idx %arg21[%get3A_81] : memref<5120xf32, #tpu.memory_space<vmem>>[vector<16xi32>], vector<16xf32>,
      %gather3A_88 = tpu.vector_load_idx %arg15[%get3A_81] : memref<5120xi32, #tpu.memory_space<vmem>>[vector<16xi32>], vector<16xi32>,
      %mul3A_89 = arith.constant 5 : i32
      %mul3A_90 = vector.broadcast %mul3A_89 : i32 to vector<16xi32>
      %mul3A_91 = arith.muli %gather3A_88, %mul3A_90 : vector<16xi32>
      tpu.vector_store_idx %arg22[%mul3A_91], %gather3A masked %eq3A_2 : memref<25600xf32, #tpu.memory_space<vmem>>[vector<16xi32>], vector<16xf32>, vector<16xi1>
      %add3A_92 = arith.constant 1 : i32
      %add3A_93 = vector.broadcast %add3A_92 : i32 to vector<16xi32>
      %add3A_94 = arith.addi %mul3A_91, %add3A_93 : vector<16xi32>
      tpu.vector_store_idx %arg22[%add3A_94], %gather3A_84 masked %eq3A_2 : memref<25600xf32, #tpu.memory_space<vmem>>[vector<16xi32>], vector<16xf32>, vector<16xi1>
      %add3A_95 = arith.constant 2 : i32
      %add3A_96 = vector.broadcast %add3A_95 : i32 to vector<16xi32>
      %add3A_97 = arith.addi %mul3A_91, %add3A_96 : vector<16xi32>
      tpu.vector_store_idx %arg22[%add3A_97], %gather3A_85 masked %eq3A_2 : memref<25600xf32, #tpu.memory_space<vmem>>[vector<16xi32>], vector<16xf32>, vector<16xi1>
      %add3A_98 = arith.constant 3 : i32
      %add3A_99 = vector.broadcast %add3A_98 : i32 to vector<16xi32>
      %add3A_100 = arith.addi %mul3A_91, %add3A_99 : vector<16xi32>
      tpu.vector_store_idx %arg22[%add3A_100], %gather3A_86 masked %eq3A_2 : memref<25600xf32, #tpu.memory_space<vmem>>[vector<16xi32>], vector<16xf32>, vector<16xi1>
      %add3A_101 = arith.constant 4 : i32
      %add3A_102 = vector.broadcast %add3A_101 : i32 to vector<16xi32>
      %add3A_103 = arith.addi %mul3A_91, %add3A_102 : vector<16xi32>
      tpu.vector_store_idx %arg22[%add3A_103], %get3A_83 masked %eq3A_2 : memref<25600xf32, #tpu.memory_space<vmem>>[vector<16xi32>], vector<16xf32>, vector<16xi1>
      tpu.vector_store_idx %arg16[%get3A_81], %broadcast_in_dim3A_5 masked %eq3A_2 : memref<5120xf32, #tpu.memory_space<vmem>>[vector<16xi32>], vector<16xf32>, vector<16xi1>
      %and3A_104 = arith.constant 31 : i32
      %and3A_105 = arith.andi %while3A_79, %and3A_104 : i32
      %eq3A_106 = arith.constant 31 : i32
      %eq3A_107 = arith.cmpi eq, %and3A_105, %eq3A_106 : i32
      %convert_element_type3A_108 = arith.extui %eq3A_107 : i1 to i32
      %cond3A_109 = arith.constant 0 : i32
      %cond3A_110 = arith.cmpi ne, %convert_element_type3A_108, %cond3A_109 : i32
      scf.if %cond3A_110 {
        %get3A_174 = arith.constant 64 : index
        %get3A_175 = tpu.vector_load %arg24[%get3A_174] {strides = array<i32>} : memref<96xi32, #tpu.memory_space<vmem>>, vector<16xi32>,
        %reduce_max3A_176 = arith.constant true
        %reduce_max3A_177 = vector.broadcast %reduce_max3A_176 : i1 to vector<16xi1>
        %reduce_max3A_178 = arith.constant -2147483648 : i32
        %reduce_max3A_179 = vector.broadcast %reduce_max3A_178 : i32 to vector<16xi32>
        %reduce_max3A_180 = arith.xori %get3A_175, %reduce_max3A_179 : vector<16xi32>
        %reduce_max3A_181 = tpu.scan <max>, %reduce_max3A_180 masked %reduce_max3A_177 : vector<16xi32>, vector<16xi1> -> vector<16xi32>
        %reduce_max3A_182 = arith.xori %reduce_max3A_181, %reduce_max3A_179 : vector<16xi32>
        %reduce_max3A_183 = vector.extract %reduce_max3A_182[15] : i32 from vector<16xi32>
        %add3A_184 = arith.constant 15 : i32
        %add3A_185 = arith.addi %reduce_max3A_183, %add3A_184 : i32
        %jit3A_186 = arith.constant 16 : i32
        %div3A_187 = arith.divsi %add3A_185, %jit3A_186 : i32
        %sign3A_188 = arith.constant 0 : i32
        %sign3A_189 = arith.cmpi sgt, %add3A_185, %sign3A_188 : i32
        %sign3A_190 = arith.extui %sign3A_189 : i1 to i32
        %sign3A_191 = arith.constant 0 : i32
        %sign3A_192 = arith.cmpi slt, %add3A_185, %sign3A_191 : i32
        %sign3A_193 = arith.extui %sign3A_192 : i1 to i32
        %sign3A_194 = arith.subi %sign3A_190, %sign3A_193 : i32
        %sign3A_195 = arith.constant 0 : i32
        %sign3A_196 = arith.cmpi sgt, %jit3A_186, %sign3A_195 : i32
        %sign3A_197 = arith.extui %sign3A_196 : i1 to i32
        %sign3A_198 = arith.constant 0 : i32
        %sign3A_199 = arith.cmpi slt, %jit3A_186, %sign3A_198 : i32
        %sign3A_200 = arith.extui %sign3A_199 : i1 to i32
        %sign3A_201 = arith.subi %sign3A_197, %sign3A_200 : i32
        %ne3A_202 = arith.cmpi ne, %sign3A_194, %sign3A_201 : i32
        %rem3A_203 = arith.remsi %add3A_185, %jit3A_186 : i32
        %ne3A_204 = arith.constant 0 : i32
        %ne3A_205 = arith.cmpi ne, %rem3A_203, %ne3A_204 : i32
        %and3A_206 = arith.andi %ne3A_202, %ne3A_205 : i1
        %sub3A_207 = arith.constant 1 : i32
        %sub3A_208 = arith.subi %div3A_187, %sub3A_207 : i32
        %select_n3A_209 = arith.select %and3A_206, %sub3A_208, %div3A_187 : i32
        %while3A_210 = arith.constant 0 : i32
        %while3A_211 = arith.subi %select_n3A_209, %while3A_210 : i32
        %while3A_212 = arith.addi %while3A_210, %while3A_211 : i32
        %while3A_213 = arith.constant 1 : i32
        %while3A_214 = arith.divsi %while3A_211, %while3A_213 : i32
        %while3A_215 = arith.muli %while3A_214, %while3A_213 : i32
        %while3A_216 = arith.addi %while3A_210, %while3A_215 : i32
        %while3A_217 = arith.constant 1 : i32
        %while3A_218 = scf.for %while3A_281 = %while3A_210 to %while3A_216 step %while3A_217 iter_args(%while3A_282 = %broadcast_in_dim3A_18) -> (vector<16xi32>)  : i32 {
          %mul3A_283 = arith.constant 16 : i32
          %mul3A_284 = arith.muli %while3A_281, %mul3A_283 : i32
          %get3A_285 = arith.index_cast %mul3A_284 : i32 to index
          %get3A_286 = tpu.vector_load %arg16[%get3A_285] {strides = array<i32>} : memref<5120xf32, #tpu.memory_space<vmem>>, vector<16xf32>,
          %gt3A = arith.constant 0.000000e+00 : f32
          %gt3A_287 = vector.broadcast %gt3A : f32 to vector<16xf32>
          %gt3A_288 = arith.cmpf ogt, %get3A_286, %gt3A_287 : vector<16xf32>
          %select_n3A_289 = arith.select %gt3A_288, %broadcast_in_dim3A_16, %broadcast_in_dim3A_18 : vector<16xi1>, vector<16xi32>
          %broadcast_in_dim3A_290 = arith.constant true
          %broadcast_in_dim3A_291 = vector.broadcast %broadcast_in_dim3A_290 : i1 to vector<16xi1>
          %masked_cumsum3A = tpu.scan <sum>, %select_n3A_289 masked %broadcast_in_dim3A_291 : vector<16xi32>, vector<16xi1> -> vector<16xi32>
          %add3A_292 = arith.addi %while3A_282, %masked_cumsum3A : vector<16xi32>
          %sub3A_293 = arith.constant 1 : i32
          %sub3A_294 = vector.broadcast %sub3A_293 : i32 to vector<16xi32>
          %sub3A_295 = arith.subi %add3A_292, %sub3A_294 : vector<16xi32>
          %get3A_296 = arith.index_cast %mul3A_284 : i32 to index
          %get3A_297 = tpu.vector_load %arg15[%get3A_296] {strides = array<i32>} : memref<5120xi32, #tpu.memory_space<vmem>>, vector<16xi32>,
          tpu.vector_store_idx %arg15[%sub3A_295], %get3A_297 masked %gt3A_288 : memref<5120xi32, #tpu.memory_space<vmem>>[vector<16xi32>], vector<16xi32>, vector<16xi1>
          tpu.vector_store_idx %arg16[%sub3A_295], %get3A_286 masked %gt3A_288 : memref<5120xf32, #tpu.memory_space<vmem>>[vector<16xi32>], vector<16xf32>, vector<16xi1>
          %get3A_298 = arith.index_cast %mul3A_284 : i32 to index
          %get3A_299 = tpu.vector_load %arg17[%get3A_298] {strides = array<i32>} : memref<5120xf32, #tpu.memory_space<vmem>>, vector<16xf32>,
          tpu.vector_store_idx %arg17[%sub3A_295], %get3A_299 masked %gt3A_288 : memref<5120xf32, #tpu.memory_space<vmem>>[vector<16xi32>], vector<16xf32>, vector<16xi1>
          %get3A_300 = arith.index_cast %mul3A_284 : i32 to index
          %get3A_301 = tpu.vector_load %arg18[%get3A_300] {strides = array<i32>} : memref<5120xf32, #tpu.memory_space<vmem>>, vector<16xf32>,
          tpu.vector_store_idx %arg18[%sub3A_295], %get3A_301 masked %gt3A_288 : memref<5120xf32, #tpu.memory_space<vmem>>[vector<16xi32>], vector<16xf32>, vector<16xi1>
          %get3A_302 = arith.index_cast %mul3A_284 : i32 to index
          %get3A_303 = tpu.vector_load %arg19[%get3A_302] {strides = array<i32>} : memref<5120xf32, #tpu.memory_space<vmem>>, vector<16xf32>,
          tpu.vector_store_idx %arg19[%sub3A_295], %get3A_303 masked %gt3A_288 : memref<5120xf32, #tpu.memory_space<vmem>>[vector<16xi32>], vector<16xf32>, vector<16xi1>
          %get3A_304 = arith.index_cast %mul3A_284 : i32 to index
          %get3A_305 = tpu.vector_load %arg20[%get3A_304] {strides = array<i32>} : memref<5120xf32, #tpu.memory_space<vmem>>, vector<16xf32>,
          tpu.vector_store_idx %arg20[%sub3A_295], %get3A_305 masked %gt3A_288 : memref<5120xf32, #tpu.memory_space<vmem>>[vector<16xi32>], vector<16xf32>, vector<16xi1>
          %get3A_306 = arith.index_cast %mul3A_284 : i32 to index
          %get3A_307 = tpu.vector_load %arg21[%get3A_306] {strides = array<i32>} : memref<5120xf32, #tpu.memory_space<vmem>>, vector<16xf32>,
          tpu.vector_store_idx %arg21[%sub3A_295], %get3A_307 masked %gt3A_288 : memref<5120xf32, #tpu.memory_space<vmem>>[vector<16xi32>], vector<16xf32>, vector<16xi1>
          %all_reduce_population_count3A = tpu.all_reduce %gt3A_288 {dim = 0 : i64, kind = #tpu.reduction_kind<sum>} : vector<16xi1> -> vector<16xi32>
          %add3A_308 = arith.addi %while3A_282, %all_reduce_population_count3A : vector<16xi32>
          scf.yield %add3A_308 : vector<16xi32>
        }
        %while3A_219 = arith.constant 1 : i32
        %while3A_220 = scf.for %while3A_281 = %while3A_216 to %while3A_212 step %while3A_219 iter_args(%while3A_282 = %while3A_218) -> (vector<16xi32>)  : i32 {
          %mul3A_283 = arith.constant 16 : i32
          %mul3A_284 = arith.muli %while3A_281, %mul3A_283 : i32
          %get3A_285 = arith.index_cast %mul3A_284 : i32 to index
          %get3A_286 = tpu.vector_load %arg16[%get3A_285] {strides = array<i32>} : memref<5120xf32, #tpu.memory_space<vmem>>, vector<16xf32>,
          %gt3A = arith.constant 0.000000e+00 : f32
          %gt3A_287 = vector.broadcast %gt3A : f32 to vector<16xf32>
          %gt3A_288 = arith.cmpf ogt, %get3A_286, %gt3A_287 : vector<16xf32>
          %select_n3A_289 = arith.select %gt3A_288, %broadcast_in_dim3A_16, %broadcast_in_dim3A_18 : vector<16xi1>, vector<16xi32>
          %broadcast_in_dim3A_290 = arith.constant true
          %broadcast_in_dim3A_291 = vector.broadcast %broadcast_in_dim3A_290 : i1 to vector<16xi1>
          %masked_cumsum3A = tpu.scan <sum>, %select_n3A_289 masked %broadcast_in_dim3A_291 : vector<16xi32>, vector<16xi1> -> vector<16xi32>
          %add3A_292 = arith.addi %while3A_282, %masked_cumsum3A : vector<16xi32>
          %sub3A_293 = arith.constant 1 : i32
          %sub3A_294 = vector.broadcast %sub3A_293 : i32 to vector<16xi32>
          %sub3A_295 = arith.subi %add3A_292, %sub3A_294 : vector<16xi32>
          %get3A_296 = arith.index_cast %mul3A_284 : i32 to index
          %get3A_297 = tpu.vector_load %arg15[%get3A_296] {strides = array<i32>} : memref<5120xi32, #tpu.memory_space<vmem>>, vector<16xi32>,
          tpu.vector_store_idx %arg15[%sub3A_295], %get3A_297 masked %gt3A_288 : memref<5120xi32, #tpu.memory_space<vmem>>[vector<16xi32>], vector<16xi32>, vector<16xi1>
          tpu.vector_store_idx %arg16[%sub3A_295], %get3A_286 masked %gt3A_288 : memref<5120xf32, #tpu.memory_space<vmem>>[vector<16xi32>], vector<16xf32>, vector<16xi1>
          %get3A_298 = arith.index_cast %mul3A_284 : i32 to index
          %get3A_299 = tpu.vector_load %arg17[%get3A_298] {strides = array<i32>} : memref<5120xf32, #tpu.memory_space<vmem>>, vector<16xf32>,
          tpu.vector_store_idx %arg17[%sub3A_295], %get3A_299 masked %gt3A_288 : memref<5120xf32, #tpu.memory_space<vmem>>[vector<16xi32>], vector<16xf32>, vector<16xi1>
          %get3A_300 = arith.index_cast %mul3A_284 : i32 to index
          %get3A_301 = tpu.vector_load %arg18[%get3A_300] {strides = array<i32>} : memref<5120xf32, #tpu.memory_space<vmem>>, vector<16xf32>,
          tpu.vector_store_idx %arg18[%sub3A_295], %get3A_301 masked %gt3A_288 : memref<5120xf32, #tpu.memory_space<vmem>>[vector<16xi32>], vector<16xf32>, vector<16xi1>
          %get3A_302 = arith.index_cast %mul3A_284 : i32 to index
          %get3A_303 = tpu.vector_load %arg19[%get3A_302] {strides = array<i32>} : memref<5120xf32, #tpu.memory_space<vmem>>, vector<16xf32>,
          tpu.vector_store_idx %arg19[%sub3A_295], %get3A_303 masked %gt3A_288 : memref<5120xf32, #tpu.memory_space<vmem>>[vector<16xi32>], vector<16xf32>, vector<16xi1>
          %get3A_304 = arith.index_cast %mul3A_284 : i32 to index
          %get3A_305 = tpu.vector_load %arg20[%get3A_304] {strides = array<i32>} : memref<5120xf32, #tpu.memory_space<vmem>>, vector<16xf32>,
          tpu.vector_store_idx %arg20[%sub3A_295], %get3A_305 masked %gt3A_288 : memref<5120xf32, #tpu.memory_space<vmem>>[vector<16xi32>], vector<16xf32>, vector<16xi1>
          %get3A_306 = arith.index_cast %mul3A_284 : i32 to index
          %get3A_307 = tpu.vector_load %arg21[%get3A_306] {strides = array<i32>} : memref<5120xf32, #tpu.memory_space<vmem>>, vector<16xf32>,
          tpu.vector_store_idx %arg21[%sub3A_295], %get3A_307 masked %gt3A_288 : memref<5120xf32, #tpu.memory_space<vmem>>[vector<16xi32>], vector<16xf32>, vector<16xi1>
          %all_reduce_population_count3A = tpu.all_reduce %gt3A_288 {dim = 0 : i64, kind = #tpu.reduction_kind<sum>} : vector<16xi1> -> vector<16xi32>
          %add3A_308 = arith.addi %while3A_282, %all_reduce_population_count3A : vector<16xi32>
          scf.yield %add3A_308 : vector<16xi32>
        }
        %reduce_max3A_221 = arith.constant true
        %reduce_max3A_222 = vector.broadcast %reduce_max3A_221 : i1 to vector<16xi1>
        %reduce_max3A_223 = arith.constant -2147483648 : i32
        %reduce_max3A_224 = vector.broadcast %reduce_max3A_223 : i32 to vector<16xi32>
        %reduce_max3A_225 = arith.xori %while3A_220, %reduce_max3A_224 : vector<16xi32>
        %reduce_max3A_226 = tpu.scan <max>, %reduce_max3A_225 masked %reduce_max3A_222 : vector<16xi32>, vector<16xi1> -> vector<16xi32>
        %reduce_max3A_227 = arith.xori %reduce_max3A_226, %reduce_max3A_224 : vector<16xi32>
        %reduce_max3A_228 = vector.extract %reduce_max3A_227[15] : i32 from vector<16xi32>
        %jit3A_229 = arith.constant 16 : i32
        %div3A_230 = arith.divsi %reduce_max3A_228, %jit3A_229 : i32
        %sign3A_231 = arith.constant 0 : i32
        %sign3A_232 = arith.cmpi sgt, %reduce_max3A_228, %sign3A_231 : i32
        %sign3A_233 = arith.extui %sign3A_232 : i1 to i32
        %sign3A_234 = arith.constant 0 : i32
        %sign3A_235 = arith.cmpi slt, %reduce_max3A_228, %sign3A_234 : i32
        %sign3A_236 = arith.extui %sign3A_235 : i1 to i32
        %sign3A_237 = arith.subi %sign3A_233, %sign3A_236 : i32
        %sign3A_238 = arith.constant 0 : i32
        %sign3A_239 = arith.cmpi sgt, %jit3A_229, %sign3A_238 : i32
        %sign3A_240 = arith.extui %sign3A_239 : i1 to i32
        %sign3A_241 = arith.constant 0 : i32
        %sign3A_242 = arith.cmpi slt, %jit3A_229, %sign3A_241 : i32
        %sign3A_243 = arith.extui %sign3A_242 : i1 to i32
        %sign3A_244 = arith.subi %sign3A_240, %sign3A_243 : i32
        %ne3A_245 = arith.cmpi ne, %sign3A_237, %sign3A_244 : i32
        %rem3A_246 = arith.remsi %reduce_max3A_228, %jit3A_229 : i32
        %ne3A_247 = arith.constant 0 : i32
        %ne3A_248 = arith.cmpi ne, %rem3A_246, %ne3A_247 : i32
        %and3A_249 = arith.andi %ne3A_245, %ne3A_248 : i1
        %sub3A_250 = arith.constant 1 : i32
        %sub3A_251 = arith.subi %div3A_230, %sub3A_250 : i32
        %select_n3A_252 = arith.select %and3A_249, %sub3A_251, %div3A_230 : i32
        %mul3A_253 = arith.constant 16 : i32
        %mul3A_254 = arith.muli %select_n3A_252, %mul3A_253 : i32
        %sub3A_255 = arith.subi %reduce_max3A_228, %mul3A_254 : i32
        %broadcast_in_dim3A_256 = vector.broadcast %sub3A_255 : i32 to vector<16xi32>
        %ge3A_257 = arith.cmpi sge, %iota3A, %broadcast_in_dim3A_256 : vector<16xi32>
        %mul3A_258 = arith.constant 16 : i32
        %mul3A_259 = arith.muli %select_n3A_252, %mul3A_258 : i32
        %get3A_260 = arith.index_cast %mul3A_259 : i32 to index
        %get3A_261 = tpu.vector_load %arg16[%get3A_260] {strides = array<i32>} : memref<5120xf32, #tpu.memory_space<vmem>>, vector<16xf32>,
        %select_n3A_262 = arith.select %ge3A_257, %broadcast_in_dim3A_5, %get3A_261 : vector<16xi1>, vector<16xf32>
        %swap3A_263 = arith.index_cast %mul3A_259 : i32 to index
        %swap3A_264 = tpu.vector_load %arg16[%swap3A_263] {strides = array<i32>} : memref<5120xf32, #tpu.memory_space<vmem>>, vector<16xf32>,
        tpu.vector_store %arg16[%swap3A_263], %select_n3A_262 {strides = array<i32>} : memref<5120xf32, #tpu.memory_space<vmem>>, vector<16xf32>,
        %add3A_265 = arith.constant 1 : i32
        %add3A_266 = arith.addi %select_n3A_252, %add3A_265 : i32
        %while3A_267 = arith.constant 0 : i32
        %while3A_268 = arith.subi %select_n3A_209, %add3A_266 : i32
        %while3A_269 = arith.addi %add3A_266, %while3A_268 : i32
        %while3A_270 = arith.constant 1 : i32
        %while3A_271 = arith.divsi %while3A_268, %while3A_270 : i32
        %while3A_272 = arith.muli %while3A_271, %while3A_270 : i32
        %while3A_273 = arith.addi %add3A_266, %while3A_272 : i32
        %while3A_274 = arith.constant 1 : i32
        %while3A_275 = scf.for %while3A_281 = %add3A_266 to %while3A_273 step %while3A_274 iter_args(%while3A_282 = %while3A_267) -> (i32)  : i32 {
          %mul3A_283 = arith.constant 16 : i32
          %mul3A_284 = arith.muli %while3A_281, %mul3A_283 : i32
          %swap3A_285 = arith.index_cast %mul3A_284 : i32 to index
          %swap3A_286 = tpu.vector_load %arg16[%swap3A_285] {strides = array<i32>} : memref<5120xf32, #tpu.memory_space<vmem>>, vector<16xf32>,
          tpu.vector_store %arg16[%swap3A_285], %broadcast_in_dim3A_5 {strides = array<i32>} : memref<5120xf32, #tpu.memory_space<vmem>>, vector<16xf32>,
          %while3A_287 = arith.constant 0 : i32
          scf.yield %while3A_287 : i32
        }
        %while3A_276 = arith.constant 1 : i32
        %while3A_277 = scf.for %while3A_281 = %while3A_273 to %while3A_269 step %while3A_276 iter_args(%while3A_282 = %while3A_275) -> (i32)  : i32 {
          %mul3A_283 = arith.constant 16 : i32
          %mul3A_284 = arith.muli %while3A_281, %mul3A_283 : i32
          %swap3A_285 = arith.index_cast %mul3A_284 : i32 to index
          %swap3A_286 = tpu.vector_load %arg16[%swap3A_285] {strides = array<i32>} : memref<5120xf32, #tpu.memory_space<vmem>>, vector<16xf32>,
          tpu.vector_store %arg16[%swap3A_285], %broadcast_in_dim3A_5 {strides = array<i32>} : memref<5120xf32, #tpu.memory_space<vmem>>, vector<16xf32>,
          %while3A_287 = arith.constant 0 : i32
          scf.yield %while3A_287 : i32
        }
        %broadcast_in_dim3A_278 = vector.broadcast %reduce_max3A_228 : i32 to vector<16xi32>
        %swap3A_279 = arith.constant 64 : index
        %swap3A_280 = tpu.vector_load %arg24[%swap3A_279] {strides = array<i32>} : memref<96xi32, #tpu.memory_space<vmem>>, vector<16xi32>,
        tpu.vector_store %arg24[%swap3A_279], %broadcast_in_dim3A_278 {strides = array<i32>} : memref<96xi32, #tpu.memory_space<vmem>>, vector<16xi32>,
      } else {
      }
      %get3A_111 = arith.constant 64 : index
      %get3A_112 = tpu.vector_load %arg24[%get3A_111] {strides = array<i32>} : memref<96xi32, #tpu.memory_space<vmem>>, vector<16xi32>,
      %reduce_max3A_113 = arith.constant true
      %reduce_max3A_114 = vector.broadcast %reduce_max3A_113 : i1 to vector<16xi1>
      %reduce_max3A_115 = arith.constant -2147483648 : i32
      %reduce_max3A_116 = vector.broadcast %reduce_max3A_115 : i32 to vector<16xi32>
      %reduce_max3A_117 = arith.xori %get3A_112, %reduce_max3A_116 : vector<16xi32>
      %reduce_max3A_118 = tpu.scan <max>, %reduce_max3A_117 masked %reduce_max3A_114 : vector<16xi32>, vector<16xi1> -> vector<16xi32>
      %reduce_max3A_119 = arith.xori %reduce_max3A_118, %reduce_max3A_116 : vector<16xi32>
      %reduce_max3A_120 = vector.extract %reduce_max3A_119[15] : i32 from vector<16xi32>
      %add3A_121 = arith.constant 15 : i32
      %add3A_122 = arith.addi %reduce_max3A_120, %add3A_121 : i32
      %jit3A_123 = arith.constant 16 : i32
      %div3A_124 = arith.divsi %add3A_122, %jit3A_123 : i32
      %sign3A_125 = arith.constant 0 : i32
      %sign3A_126 = arith.cmpi sgt, %add3A_122, %sign3A_125 : i32
      %sign3A_127 = arith.extui %sign3A_126 : i1 to i32
      %sign3A_128 = arith.constant 0 : i32
      %sign3A_129 = arith.cmpi slt, %add3A_122, %sign3A_128 : i32
      %sign3A_130 = arith.extui %sign3A_129 : i1 to i32
      %sign3A_131 = arith.subi %sign3A_127, %sign3A_130 : i32
      %sign3A_132 = arith.constant 0 : i32
      %sign3A_133 = arith.cmpi sgt, %jit3A_123, %sign3A_132 : i32
      %sign3A_134 = arith.extui %sign3A_133 : i1 to i32
      %sign3A_135 = arith.constant 0 : i32
      %sign3A_136 = arith.cmpi slt, %jit3A_123, %sign3A_135 : i32
      %sign3A_137 = arith.extui %sign3A_136 : i1 to i32
      %sign3A_138 = arith.subi %sign3A_134, %sign3A_137 : i32
      %ne3A_139 = arith.cmpi ne, %sign3A_131, %sign3A_138 : i32
      %rem3A_140 = arith.remsi %add3A_122, %jit3A_123 : i32
      %ne3A_141 = arith.constant 0 : i32
      %ne3A_142 = arith.cmpi ne, %rem3A_140, %ne3A_141 : i32
      %and3A_143 = arith.andi %ne3A_139, %ne3A_142 : i1
      %sub3A_144 = arith.constant 1 : i32
      %sub3A_145 = arith.subi %div3A_124, %sub3A_144 : i32
      %select_n3A_146 = arith.select %and3A_143, %sub3A_145, %div3A_124 : i32
      %mul3A_147 = arith.constant 16 : i32
      %mul3A_148 = arith.muli %select_n3A_146, %mul3A_147 : i32
      %parallel_loop3A_149 = arith.constant 0 : i32
      %parallel_loop3A_150 = arith.constant 16 : i32
      %parallel_loop3A_151:3 = scf.for %parallel_loop3A_174 = %parallel_loop3A_149 to %mul3A_148 step %parallel_loop3A_150 iter_args(%parallel_loop3A_175 = %broadcast_in_dim3A_25, %parallel_loop3A_176 = %broadcast_in_dim3A_18, %parallel_loop3A_177 = %iota3A) -> (vector<16xf32>, vector<16xi32>, vector<16xi32>)  : i32 {
        %parallel_loop3A_178 = arith.index_cast %parallel_loop3A_174 : i32 to index
        %parallel_loop3A_179 = tpu.vector_load %arg16[%parallel_loop3A_178] {strides = array<i32>} : memref<5120xf32, #tpu.memory_space<vmem>>, vector<16xf32>,
        %parallel_loop3A_180 = arith.index_cast %parallel_loop3A_174 : i32 to index
        %parallel_loop3A_181 = tpu.vector_load %arg17[%parallel_loop3A_180] {strides = array<i32>} : memref<5120xf32, #tpu.memory_space<vmem>>, vector<16xf32>,
        %parallel_loop3A_182 = arith.maximumf %gather3A, %parallel_loop3A_181 : vector<16xf32>
        %parallel_loop3A_183 = arith.index_cast %parallel_loop3A_174 : i32 to index
        %parallel_loop3A_184 = tpu.vector_load %arg18[%parallel_loop3A_183] {strides = array<i32>} : memref<5120xf32, #tpu.memory_space<vmem>>, vector<16xf32>,
        %parallel_loop3A_185 = arith.maximumf %gather3A_84, %parallel_loop3A_184 : vector<16xf32>
        %parallel_loop3A_186 = arith.index_cast %parallel_loop3A_174 : i32 to index
        %parallel_loop3A_187 = tpu.vector_load %arg19[%parallel_loop3A_186] {strides = array<i32>} : memref<5120xf32, #tpu.memory_space<vmem>>, vector<16xf32>,
        %parallel_loop3A_188 = arith.minimumf %gather3A_85, %parallel_loop3A_187 : vector<16xf32>
        %parallel_loop3A_189 = arith.index_cast %parallel_loop3A_174 : i32 to index
        %parallel_loop3A_190 = tpu.vector_load %arg20[%parallel_loop3A_189] {strides = array<i32>} : memref<5120xf32, #tpu.memory_space<vmem>>, vector<16xf32>,
        %parallel_loop3A_191 = arith.minimumf %gather3A_86, %parallel_loop3A_190 : vector<16xf32>
        %parallel_loop3A_192 = arith.subf %parallel_loop3A_188, %parallel_loop3A_182 : vector<16xf32>
        %parallel_loop3A_193 = arith.constant 0.000000e+00 : f32
        %parallel_loop3A_194 = vector.broadcast %parallel_loop3A_193 : f32 to vector<16xf32>
        %parallel_loop3A_195 = arith.maximumf %parallel_loop3A_192, %parallel_loop3A_194 : vector<16xf32>
        %parallel_loop3A_196 = arith.subf %parallel_loop3A_191, %parallel_loop3A_185 : vector<16xf32>
        %parallel_loop3A_197 = arith.constant 0.000000e+00 : f32
        %parallel_loop3A_198 = vector.broadcast %parallel_loop3A_197 : f32 to vector<16xf32>
        %parallel_loop3A_199 = arith.maximumf %parallel_loop3A_196, %parallel_loop3A_198 : vector<16xf32>
        %parallel_loop3A_200 = arith.mulf %parallel_loop3A_195, %parallel_loop3A_199 : vector<16xf32>
        %parallel_loop3A_201 = arith.index_cast %parallel_loop3A_174 : i32 to index
        %parallel_loop3A_202 = tpu.vector_load %arg21[%parallel_loop3A_201] {strides = array<i32>} : memref<5120xf32, #tpu.memory_space<vmem>>, vector<16xf32>,
        %parallel_loop3A_203 = arith.addf %gather3A_87, %parallel_loop3A_202 : vector<16xf32>
        %parallel_loop3A_204 = arith.subf %parallel_loop3A_203, %parallel_loop3A_200 : vector<16xf32>
        %parallel_loop3A_205 = arith.constant 9.99999971E-10 : f32
        %parallel_loop3A_206 = vector.broadcast %parallel_loop3A_205 : f32 to vector<16xf32>
        %parallel_loop3A_207 = arith.addf %parallel_loop3A_204, %parallel_loop3A_206 : vector<16xf32>
        %parallel_loop3A_208 = arith.constant 3.000000e-01 : f32
        %parallel_loop3A_209 = vector.broadcast %parallel_loop3A_208 : f32 to vector<16xf32>
        %parallel_loop3A_210 = arith.mulf %parallel_loop3A_209, %parallel_loop3A_207 : vector<16xf32>
        %parallel_loop3A_211 = arith.cmpf ogt, %parallel_loop3A_200, %parallel_loop3A_210 : vector<16xf32>
        %parallel_loop3A_212 = arith.constant -1.000000e+00 : f32
        %parallel_loop3A_213 = vector.broadcast %parallel_loop3A_212 : f32 to vector<16xf32>
        %parallel_loop3A_214 = arith.select %parallel_loop3A_211, %parallel_loop3A_213, %parallel_loop3A_179 : vector<16xi1>, vector<16xf32>
        %parallel_loop3A_215 = arith.index_cast %parallel_loop3A_174 : i32 to index
        %parallel_loop3A_216 = tpu.vector_load %arg16[%parallel_loop3A_215] {strides = array<i32>} : memref<5120xf32, #tpu.memory_space<vmem>>, vector<16xf32>,
        tpu.vector_store %arg16[%parallel_loop3A_215], %parallel_loop3A_214 {strides = array<i32>} : memref<5120xf32, #tpu.memory_space<vmem>>, vector<16xf32>,
        %parallel_loop3A_217 = arith.cmpf ogt, %parallel_loop3A_214, %parallel_loop3A_175 : vector<16xf32>
        %parallel_loop3A_218 = arith.select %parallel_loop3A_217, %parallel_loop3A_214, %parallel_loop3A_175 : vector<16xi1>, vector<16xf32>
        %parallel_loop3A_219 = arith.select %parallel_loop3A_217, %parallel_loop3A_177, %parallel_loop3A_176 : vector<16xi1>, vector<16xi32>
        %parallel_loop3A_220 = arith.addi %parallel_loop3A_177, %broadcast_in_dim3A_7 : vector<16xi32>
        scf.yield %parallel_loop3A_218, %parallel_loop3A_219, %parallel_loop3A_220 : vector<16xf32>, vector<16xi32>, vector<16xi32>
      } {sc.loop_unroll_factor = 8 : i64, sc.parallel_access}
      %reduce_max3A_152 = arith.constant true
      %reduce_max3A_153 = vector.broadcast %reduce_max3A_152 : i1 to vector<16xi1>
      %reduce_max3A_154 = tpu.scan <max>, %parallel_loop3A_151#0 masked %reduce_max3A_153 : vector<16xf32>, vector<16xi1> -> vector<16xf32>
      %reduce_max3A_155 = vector.extract %reduce_max3A_154[15] : f32 from vector<16xf32>
      %broadcast_in_dim3A_156 = vector.broadcast %reduce_max3A_155 : f32 to vector<16xf32>
      %ge3A_157 = arith.cmpf oge, %parallel_loop3A_151#0, %broadcast_in_dim3A_156 : vector<16xf32>
      %select_n3A_158 = arith.select %ge3A_157, %parallel_loop3A_151#1, %broadcast_in_dim3A_9 : vector<16xi1>, vector<16xi32>
      %reduce_min3A_159 = arith.constant true
      %reduce_min3A_160 = vector.broadcast %reduce_min3A_159 : i1 to vector<16xi1>
      %reduce_min3A_161 = arith.constant -2147483648 : i32
      %reduce_min3A_162 = vector.broadcast %reduce_min3A_161 : i32 to vector<16xi32>
      %reduce_min3A_163 = arith.xori %select_n3A_158, %reduce_min3A_162 : vector<16xi32>
      %reduce_min3A_164 = tpu.scan <min>, %reduce_min3A_163 masked %reduce_min3A_160 : vector<16xi32>, vector<16xi1> -> vector<16xi32>
      %reduce_min3A_165 = arith.xori %reduce_min3A_164, %reduce_min3A_162 : vector<16xi32>
      %reduce_min3A_166 = vector.extract %reduce_min3A_165[15] : i32 from vector<16xi32>
      %swap3A_167 = arith.constant 16 : index
      %swap3A_168 = tpu.vector_load %arg23[%swap3A_167] {strides = array<i32>} : memref<32xf32, #tpu.memory_space<vmem>>, vector<16xf32>,
      tpu.vector_store %arg23[%swap3A_167], %broadcast_in_dim3A_156 {strides = array<i32>} : memref<32xf32, #tpu.memory_space<vmem>>, vector<16xf32>,
      %broadcast_in_dim3A_169 = vector.broadcast %reduce_min3A_166 : i32 to vector<16xi32>
      %swap3A_170 = arith.constant 48 : index
      %swap3A_171 = tpu.vector_load %arg24[%swap3A_170] {strides = array<i32>} : memref<96xi32, #tpu.memory_space<vmem>>, vector<16xi32>,
      tpu.vector_store %arg24[%swap3A_170], %broadcast_in_dim3A_169 {strides = array<i32>} : memref<96xi32, #tpu.memory_space<vmem>>, vector<16xi32>,
      %add3A_172 = arith.constant 1 : i32
      %add3A_173 = arith.addi %while3A_79, %add3A_172 : i32
      scf.yield %reduce_max3A_155, %add3A_173 : f32, i32
    }
    %lt3A = arith.constant 20 : i32
    %lt3A_76 = arith.cmpi slt, %add3A, %lt3A : i32
    %convert_element_type3A = arith.extui %lt3A_76 : i1 to i32
    %cond3A = arith.constant 0 : i32
    %cond3A_77 = arith.cmpi ne, %convert_element_type3A, %cond3A : i32
    scf.if %cond3A_77 {
      "tpu.region"() ({
        %run_scoped3A = tpu.sem_alloc : memref<!tpu.dma_semaphore, #tpu.memory_space<semaphore_mem>>
        %dma_start3A = arith.constant 0 : i32
        %dma_start3A_78 = tpu.memref_slice %arg8[%add3A, %dma_start3A] : memref<20x25600xf32, #tpu.memory_space<hbm>> -> memref<1x25600xf32, #tpu.memory_space<hbm>>
        %dma_start3A_79 = tpu.memref_squeeze %dma_start3A_78 : memref<1x25600xf32, #tpu.memory_space<hbm>> -> memref<25600xf32, #tpu.memory_space<hbm>>
        %dma_start3A_80 = arith.constant 0 : i32
        %dma_start3A_81 = tpu.memref_slice %arg8[%add3A, %dma_start3A_80] : memref<20x25600xf32, #tpu.memory_space<hbm>> -> memref<1x25600xf32, #tpu.memory_space<hbm>>
        %dma_start3A_82 = tpu.memref_squeeze %dma_start3A_81 : memref<1x25600xf32, #tpu.memory_space<hbm>> -> memref<25600xf32, #tpu.memory_space<hbm>>
        tpu.enqueue_dma source(%arg22 : memref<25600xf32, #tpu.memory_space<vmem>>) target(%dma_start3A_82 : memref<25600xf32, #tpu.memory_space<hbm>>) target_semaphore(%run_scoped3A : memref<!tpu.dma_semaphore, #tpu.memory_space<semaphore_mem>>)
        %dma_wait3A = arith.constant 0 : i32
        %dma_wait3A_83 = tpu.memref_slice %arg8[%add3A, %dma_wait3A] : memref<20x25600xf32, #tpu.memory_space<hbm>> -> memref<1x25600xf32, #tpu.memory_space<hbm>>
        %dma_wait3A_84 = tpu.memref_squeeze %dma_wait3A_83 : memref<1x25600xf32, #tpu.memory_space<hbm>> -> memref<25600xf32, #tpu.memory_space<hbm>>
        %dma_wait3A_85 = arith.constant 0 : i32
        %dma_wait3A_86 = tpu.memref_slice %arg8[%add3A, %dma_wait3A_85] : memref<20x25600xf32, #tpu.memory_space<hbm>> -> memref<1x25600xf32, #tpu.memory_space<hbm>>
        %dma_wait3A_87 = tpu.memref_squeeze %dma_wait3A_86 : memref<1x25600xf32, #tpu.memory_space<hbm>> -> memref<25600xf32, #tpu.memory_space<hbm>>
        tpu.wait_dma2 semaphore(%run_scoped3A : memref<!tpu.dma_semaphore, #tpu.memory_space<semaphore_mem>>) src(%arg22 : memref<25600xf32, #tpu.memory_space<vmem>>) dst(%dma_wait3A_87 : memref<25600xf32, #tpu.memory_space<hbm>>)
        tpu.yield
      }) : () -> ()
    } else {
    }
    return
  }
}

</mosaic_0001>

<sc_bundles>
// kernel: kernel.3.cloned.1.call-start
scs
__scs_entry_jumppad:
0x0: {  	(pc) =	sbr.rel $0x88, $3  }
0x1: {  	(tag) =	ssettag $0x0;
	lr =	simm.s32 $0x1  }
0x2: {  	[smem:$0x3F9E] =	sst lr;
	_ =	strace $0xD0000000  }
0x3: {  	_ = 	snop  }
0x4: {  	_ = 	snop  }
0x5: {  	_ = 	snop  }
0x6: {  	_ = 	snop  }
0x7: {  	_ = 	snop  }
__scs_overlays_trampoline_lowered:
0x8: {  	[smem:$0x3FAD] =	sst s0  }
0x9: {  	[smem:$0x3FAE] =	sst s1  }
0xa: {  	[smem:$0x3FAF] =	sst s2  }
0xb: {  	[smem:$0x3FB0] =	sst s3  }
0xc: {  	[smem:$0x3FB1] =	sst s4  }
0xd: {  	[smem:$0x3FB2] =	sst s5  }
0xe: {  	[smem:$0x3FB3] =	sst s6  }
0xf: {  	[smem:$0x3FB4] =	sst s7  }
0x10: {  	[smem:$0x3FB5] =	sst s8  }
0x11: {  	[smem:$0x3FB6] =	sst s9;
	s0 =	simm.s32 @!p0 $0x0  }
0x12: {  	s1 =	sld [smem:$0x3F9C];
	s0 =	simm.s32 @p0 $0x1  }
0x13: {  	[smem:$0x3FB7] =	sst s0;
	s0 =	simm.s32 @!p1 $0x0  }
0x14: {  	s2 =	sld [smem:$0x3F9B];
	s0 =	simm.s32 @p1 $0x1  }
0x15: {  	[smem:$0x3FB8] =	sst s0;
	s0 =	simm.s32 @!p2 $0x0  }
0x16: {  	s3 =	sld [smem:$0x3FDB];
	s0 =	simm.s32 @p2 $0x1  }
0x17: {  	s4 =	simm.s32 $0x1BF5;
	[smem:$0x3FBA] =	sst s0  }
0x18: {  	s0 =	sld [smem:$0x3F9D];
	_ =	swait.ge [sflag:s4], $0x0  }
0x19: {  	s7 =	sld [smem:$0x3F9E]  }
0x1a: {  	s8 =	sadd.s32 $0xFFFFE003, lr  }
0x1b: {  	s9 =	sadd.s32 $0xFFFFFEF7, lr;
	s5 =	simm.s32 $0xFFFFFFFF;
	p2 =	slt.u32 s8, $0xFFFFF086  }
0x1c: {  	p1 =	slt.u32 s9, $0xF7A;
	s5 =	simm.s32 @!p2 $0x0  }
0x1d: {  	s5 =	simm.s32 @p1 $0x1;
	p0 =	seq.s32 s7, s2  }
0x1e: {  	s7 =	smul.u32 @!p0 $0xF7A, s2;
	p2 =	seq.s32 @!p0 s5, $0x0  }
0x1f: {  	s9 =	smul.u32 $0xF7A, s1;
	s8 =	simm.s32 @!p0 $0x1BF5;
	p2 =	por !p2, p0  }
0x20: {  	[sflag:s8] =	ssyncset.s32 @!p0 $0xFFFFF086;
	s6 =	sadd.s32 @!p0 s3, s7;
	s7 =	simm.s32 @!p0 $0x108  }
0x21: {  	s3 =	sadd.s32 s3, s9;
	s6 =	sadd.s32 @!p0 $0x88, s6;
	s7 =	simm.s32 @p2 $0x1082  }
0x22: {  	[simem:s7], [sflag:s8] =	dma.local @!p0 [hbm:s6], $0xF7A  }
0x23: {  	s9 =	sor.u32 $0xD0000000, s2;
	s6 =	simm.s32 $0x108;
	_ =	swait.ge @!p0 [sflag:s8], $0x0  }
0x24: {  	s3 =	sadd.s32 $0x88, s3;
	s6 =	simm.s32 @!p1 $0x1082;
	[sflag:s4] =	ssyncset.s32 $0xFFFFF086  }
0x25: {  	[simem:s6], [sflag:s4] =	dma.local [hbm:s3], $0xF7A  }
0x26: {  	[smem:$0x3F9E] =	sst s1;
	(tag) =	ssettag s2;
	_ =	strace s9  }
0x27: {  	s1 =	sld [smem:$0x3FAE]  }
0x28: {  	s2 =	sld [smem:$0x3FAF]  }
0x29: {  	s4 =	sld [smem:$0x3FB1]  }
0x2a: {  	p0 =	seq.s32 s5, $0x0;
	s5 =	sld [smem:$0x3FB2]  }
0x2b: {  	s6 =	sld [smem:$0x3FB3]  }
0x2c: {  	s7 =	sld [smem:$0x3FB4]  }
0x2d: {  	s3 =	simm.s32 $0x108;
	s8 =	sld [smem:$0x3FB5]  }
0x2e: {  	s3 =	simm.s32 @!p0 $0x1082;
	s9 =	sld [smem:$0x3FB6]  }
0x2f: {  	lr =	sadd.s32 s0, s3;
	s0 =	sld [smem:$0x3FAD]  }
0x30: {  	s3 =	sld [smem:$0x3FB0]  }
0x31: {  	[smem:$0x3FB9] =	sst s10  }
0x32: {  	s10 =	sld [smem:$0x3FB7];
	_ =	sdelay $0x3  }
0x33: {  	p0 =	seq.s32 s10, $0x1;
	s10 =	sld [smem:$0x3FB9];
	_ =	sdelay $0x3  }
0x34: {  	[smem:$0x3FB9] =	sst s10  }
0x35: {  	s10 =	sld [smem:$0x3FB8];
	_ =	sdelay $0x3  }
0x36: {  	p1 =	seq.s32 s10, $0x1;
	s10 =	sld [smem:$0x3FB9];
	_ =	sdelay $0x3  }
0x37: {  	[smem:$0x3FB9] =	sst s10  }
0x38: {  	s10 =	sld [smem:$0x3FBA]  }
0x39: {  	_ = 	snop;
	(pc) =	sbr.ind lr, $3  }
0x3a: {  	_ = 	snop  }
0x3b: {  	_ = 	snop  }
0x3c: {  	p2 =	seq.s32 s10, $0x1;
	s10 =	sld [smem:$0x3FB9]  }
0x3d: {  	_ =	shalt  }
0x3e: {  	_ =	shalt  }
0x3f: {  	_ =	shalt  }
0x40: {  	_ =	shalt  }
0x41: {  	_ =	shalt  }
0x42: {  	_ =	shalt  }
0x43: {  	_ =	shalt  }
0x44: {  	_ =	shalt  }
0x45: {  	_ =	shalt  }
0x46: {  	_ =	shalt  }
0x47: {  	_ =	shalt  }
0x48: {  	_ =	shalt  }
0x49: {  	_ =	shalt  }
0x4a: {  	_ =	shalt  }
0x4b: {  	_ =	shalt  }
0x4c: {  	_ =	shalt  }
0x4d: {  	_ =	shalt  }
0x4e: {  	_ =	shalt  }
0x4f: {  	_ =	shalt  }
0x50: {  	_ =	shalt  }
0x51: {  	_ =	shalt  }
0x52: {  	_ =	shalt  }
0x53: {  	_ =	shalt  }
0x54: {  	_ =	shalt  }
0x55: {  	_ =	shalt  }
0x56: {  	_ =	shalt  }
0x57: {  	_ =	shalt  }
0x58: {  	_ =	shalt  }
0x59: {  	_ =	shalt  }
0x5a: {  	_ =	shalt  }
0x5b: {  	_ =	shalt  }
0x5c: {  	_ =	shalt  }
0x5d: {  	_ =	shalt  }
0x5e: {  	_ =	shalt  }
0x5f: {  	_ =	shalt  }
0x60: {  	_ =	shalt  }
0x61: {  	_ =	shalt  }
0x62: {  	_ =	shalt  }
0x63: {  	_ =	shalt  }
0x64: {  	_ =	shalt  }
0x65: {  	_ =	shalt  }
0x66: {  	_ =	shalt  }
0x67: {  	_ =	shalt  }
0x68: {  	_ =	shalt  }
0x69: {  	_ =	shalt  }
0x6a: {  	_ =	shalt  }
0x6b: {  	_ =	shalt  }
0x6c: {  	_ =	shalt  }
0x6d: {  	_ =	shalt  }
0x6e: {  	_ =	shalt  }
0x6f: {  	_ =	shalt  }
0x70: {  	_ =	shalt  }
0x71: {  	_ =	shalt  }
0x72: {  	_ =	shalt  }
0x73: {  	_ =	shalt  }
0x74: {  	_ =	shalt  }
0x75: {  	_ =	shalt  }
0x76: {  	_ =	shalt  }
0x77: {  	_ =	shalt  }
0x78: {  	_ =	shalt  }
0x79: {  	_ =	shalt  }
0x7a: {  	_ =	shalt  }
0x7b: {  	_ =	shalt  }
0x7c: {  	_ =	shalt  }
0x7d: {  	_ =	shalt  }
0x7e: {  	_ =	shalt  }
0x7f: {  	_ =	shalt  }
0x80: {  	_ =	shalt  }
0x81: {  	_ =	shalt  }
0x82: {  	_ =	shalt  }
0x83: {  	_ =	shalt  }
0x84: {  	_ =	shalt  }
0x85: {  	_ =	shalt  }
0x86: {  	_ =	shalt  }
0x87: {  	_ =	shalt  }
.Lfunc_end0:
.L_simem_size_0:
called_computation_lowered:
.L_overlay_start_0:
0x88: {  	s2 =	sld [smem:$0x3FD9]  }
0x89: {  	s3 =	sld [smem:$0x3FFE];
	_ =	sdelay $0x1  }
0x8a: {  	s1 =	srdreg.scid  }
0x8b: {  	s0 =	sand.u32 $0x1, s1  }
0x8c: {  	s17 =	sshll.u32 s0, $0xA;
	s2 =	sadd.s32 s3, s2  }
0x8d: {  	s2 =	sadd.s32 s2, s17  }
0x8e: {  	[smem:$0x3FC5] =	sst s2  }
0x8f: {  	_ = 	snop  }
0x90: {  	s2 =	sld [smem:$0x3FD0];
	(tm) =	ssettm $0x1  }
0x91: {  	s18 =	sld [smem:$0x3FFB];
	_ =	sdelay $0x3  }
0x92: {  	_ =	strace s18  }
0x93: {  	s3 =	sld [smem:$0x3FFC];
	_ =	sdelay $0x3  }
0x94: {  	_ =	strace s3  }
0x95: {  	s3 =	sld [smem:$0x3FFD];
	_ =	sdelay $0x3  }
0x96: {  	_ =	strace s3  }
0x97: {  	_ =	strace $0x8FFFFFFF  }
0x98: {  	s19 =	sld [smem:$0x3FDB];
	_ =	sdelay $0x1  }
0x99: {  	s4 =	simm.s32 $_scs_section_size  }
0x9a: {  	s5 =	simm.s32 $_size__tile_overlayer_lowered;
	s6 =	simm.s32 $_tile_overlayer_lowered  }
0x9b: {  	s22 =	simm.s32 $0x1BFF;
	s21 =	sshll.u32 s6, $0x1;
	s3 =	sadd.s32 s4, s19  }
0x9c: {  	s7 =	simm.s32 $0x0;
	s20 =	sshll.u32 s5, $0x1;
	s5 =	sadd.s32 s21, s3  }
0x9d: {  	[timem:s7], [sflag:s22] =	dma.local [hbm:s5], s20  }
0x9e: {  	_ =	swait.ge [sflag:s22], s20  }
0x9f: {  	s4 =	ssub.s32 $0x0, s20;
	[sflag:s22] =	ssyncset.done $0x0  }
0xa0: {  	[sflag:s22] =	ssyncadd.s32 s4;
	_ =	sdelay $0x1  }
0xa1: {  	s23 =	simm.s32 $0x1B8B  }
0xa2: {  	_ =	swait.ge [sflag:s23], $0x1  }
0xa3: {  	[sflag:s23] =	ssyncset.done $0x0  }
0xa4: {  	s25 =	simm.s32 $0x1B8E;
	s24 =	sld [smem:$0x3FFE];
	[sflag:s23] =	ssyncadd.s32 $0xFFFFFFFF  }
0xa5: {  	s26 =	simm.s32 $execute0_lowered;
	[smem:$0x3FD2] =	sst s25  }
0xa6: {  	s5 =	sshll.u32 s26, $0x1;
	_ =	strace $0x80000046;
	[dreg:$0x1] =	wrdreg $0xFFFFFFFF  }
0xa7: {  	s28 =	simm.s32 $_size_execute0_lowered;
	s3 =	sadd.s32 s3, s5;
	[dreg:$0x0] =	wrdreg $0x0  }
0xa8: {  	s5 =	sshll.u32 s28, $0x1;
	[dreg:$0x2] =	wrdreg s3  }
0xa9: {  	[dreg:$0x3] =	wrdreg s5  }
0xaa: {  	[dreg:$0x4] =	wrdreg $0xC0  }
0xab: {  	_ =	task [dreg:s7], $0x5FFFF  }
0xac: {  	[dreg:$0x1] =	wrdreg $0xFFFFFFFF  }
0xad: {  	[dreg:$0x0] =	wrdreg $0x60  }
0xae: {  	[dreg:$0x2] =	wrdreg s24  }
0xaf: {  	[dreg:$0x3] =	wrdreg s2  }
0xb0: {  	[dreg:$0x4] =	wrdreg $0x9  }
0xb1: {  	_ =	task.clear_ibuf [dreg:s7], $0x5FFFF;
	_ =	strace $0x90000046  }
0xb2: {  	s29 =	simm.s32 $0x9;
	_ =	strace $0x80000048  }
0xb3: {  	_ =	swait.ge [sflag:s29], $0x1  }
0xb4: {  	[sflag:s29] =	ssyncadd.s32 $0xFFFFFFFF  }
0xb5: {  	_ =	strace $0x90000048  }
0xb6: {  	_ =	sfence  }
0xb7: {  	s30 =	sld [smem:$0x0];
	_ =	sdelay $0x2  }
0xb8: {  	s31 =	sshll.u32 s1, $0xD;
	s1 =	sshrl.u32 s1, $0x2  }
0xb9: {  	s3 =	sand.u32 $0x4000, s31;
	s1 =	sadd.s32 s1, s30  }
0xba: {  	s0 =	sor.u32 s3, s0;
	s1 =	sshll.u32 s1, $0x11  }
0xbb: {  	s0 =	sor.u32 s1, s0  }
0xbc: {  	s0 =	sadd.s32 $0x8F2B, s0  }
0xbd: {  	[sflag:s0] =	ssyncadd.remote.s32 $0x1  }
0xbe: {  	_ =	sfence.sel $0xFFFF  }
0xbf: {  	[dreg:$0x0] =	wrdreg $0xFFFFFFFF;
	(pc) =	sbr.abs _section_cstart, $3  }
0xc0: {  	[dreg:$0x1] =	wrdreg $0xFFFFFFFF  }
0xc1: {  	_ =	task.clear_ibuf [dreg:s7], $0x2FFFF;
	_ =	strace $0x9FFFFFFF  }
0xc2: {  	(tm) =	ssettm $0x7FFFFFFF  }
0xc3: {  	_ =	shalt  }
tec
execute0_lowered:
.L_overlay_start_1:
0x0: {  	(tag) =	ssettag $0x1  }
0x1: {  	s0 =	rddreg [dreg:$0x0]  }
0x2: {  	s1 =	rddreg [dreg:$0x1]  }
0x3: {  	s2 =	srdreg.scid;
	s12 =	stileid.u32;
	s13 =	simm.s32 $0x1  }
0x4: {  	s18 =	simm.s32 $0x6400;
	s19 =	simm.s32 $0x7800;
	s20 =	simm.s32 $0x8C00  }
0x5: {  	s21 =	simm.s32 $0xA000;
	s22 =	simm.s32 $0xB400;
	s23 =	simm.s32 $0xC800  }
0x6: {  	s24 =	simm.s32 $0xDC00;
	s25 =	simm.s32 $0xF000;
	s28 =	simm.s32 $0x0  }
0x7: {  	s6 =	sand.u32 $0x1, s2;
	s4 =	sshrl.u32 s12, $0x2;
	s26 =	sshll.u32 s12, $0x8  }
0x8: {  	s2 =	simm.s32 $0x0;
	p0 =	sgt.u32 s12, $0x9;
	s3 =	sshll.u32 s6, $0x7  }
0x9: {  	s5 =	sand.u32 $0x300, s26;
	s7 =	smul.u32 $0xA000, s4;
	[smem:$0x7FF] =	sst s2  }
0xa: {  	s29 =	smul.u32 $0x32000, s4;
	s4 =	sadd.s32 $0x1000, s0;
	s10 =	ssub.s32 $0x2, s6  }
0xb: {  	s6 =	sadd.s32 $0x800, s0;
	s26 =	simm.s32 $0x10400;
	s8 =	sor.u32 s3, s5  }
.Ltmp0:
0xc: {  	_ =	strace $0x80000047;
	s5 =	sadd.s32 $0xC00, s0;
	(pc) =	sbr.rel .LBB2_1-.Ltmp0, $4  }
0xd: {  	s11 =	sshrl.u32 s10, $0x1;
	s3 =	sor.u32 s7, s8;
	s8 =	sor.u32 s29, s8  }
0xe: {  	s7 =	sadd.s32 $0x400, s0;
	s30 =	ssub.s32 s10, s11;
	s3 =	sshrl.u32 s3, $0x3  }
0xf: {  	v0 =	vimm.f32 $0.0e+00;
	v3 =	vlaneseq.u32;
	s31 =	sshrl.u32 s8, $0x3;
	s10 =	smax.u32 s30, $0x1;
	s9 =	sadd.s32 s3, s0  }
0x10: {  	v1 =	vimm.f32 $-1.000000000e+00;
	v2 =	vimm.s32 $0x0;
	v3 =	vadd.s32 $0x1, v3;
	s3 =	sadd.s32 $0x1400, s0;
	s8 =	sadd.s32 $0x1800, s9;
	s9 =	sadd.s32 s1, s31  }
.LBB2_32:
0x11: {  	s0 =	simm.s32 @!p0 $0x80  }
0x12: {  	s1 =	simm.s32 @!p0 $0x400;
	s11 =	simm.s32 @!p0 $0x10400;
	s28 =	sadd.s32 $0x1, s28  }
0x13: {  	[hbm4b:s9+s0] =	stream.strided.scatter @!p0 [tilespmem:s11], [sflag:$0x1], $0x6400, s1, s0, $0x38;
	[tilespmem:$0x16900] =	vst v63  }
0x14: {  	p1 =	sne.s32 s28, s10  }
.Ltmp1:
0x15: {  	_ = 	snop;
	(pc) =	sbr.rel @!p1 .LBB2_33-.Ltmp1, $4  }
0x16: {  	s0 =	simm.s32 @!p0 $0x1  }
0x17: {  	_ =	swait.ge @!p0 [sflag:s0], $0x6400  }
0x18: {  	[sflag:s0] =	ssyncset.done @!p0 $0x0  }
0x19: {  	[sflag:s0] =	ssyncadd.s32 @!p0 $0xFFFF9C00  }
.LBB2_1:
0x1a: {  	s0 =	simm.s32 $0x80;
	s1 =	simm.s32 $0x400  }
0x1b: {  	[tilespmem:s2], [sflag:$0x1] =	stream.strided.gather [hbm4b:s8+s0], $0x1400, s1, s0, $0x38;
	[tilespmem:$0x16900] =	vst v63  }
0x1c: {  	_ =	swait.ge [sflag:s13], $0x1400  }
0x1d: {  	[sflag:s13] =	ssyncset.done $0x0  }
0x1e: {  	s17 =	simm.s32 $0x1400;
	[sflag:s13] =	ssyncadd.s32 $0xFFFFEC00  }
0x1f: {  	[tilespmem:s17], [sflag:$0x1] =	stream.linear.gather [hbm4b:s3+s2], $0x1400, $0x38;
	[tilespmem:$0x16900] =	vst v63  }
0x20: {  	_ =	swait.ge [sflag:s13], $0x1400  }
0x21: {  	[sflag:s13] =	ssyncset.done $0x0  }
0x22: {  	s29 =	simm.s32 $0x2800;
	[sflag:s13] =	ssyncadd.s32 $0xFFFFEC00  }
0x23: {  	[tilespmem:s29], [sflag:$0x1] =	stream.linear.gather [hbm4b:s4+s2], $0x1400, $0x38;
	[tilespmem:$0x16900] =	vst v63  }
0x24: {  	_ =	swait.ge [sflag:s13], $0x1400  }
0x25: {  	[sflag:s13] =	ssyncset.done $0x0  }
0x26: {  	s30 =	simm.s32 $0x3C00;
	[sflag:s13] =	ssyncadd.s32 $0xFFFFEC00  }
0x27: {  	[tilespmem:s30], [sflag:$0x1] =	stream.linear.gather [hbm4b:s5+s2], $0x1400, $0x38;
	[tilespmem:$0x16900] =	vst v63  }
0x28: {  	_ =	swait.ge [sflag:s13], $0x1400  }
0x29: {  	[sflag:s13] =	ssyncset.done $0x0  }
0x2a: {  	s31 =	simm.s32 $0x5000;
	[sflag:s13] =	ssyncadd.s32 $0xFFFFEC00  }
0x2b: {  	[tilespmem:s31], [sflag:$0x1] =	stream.linear.gather [hbm4b:s6+s2], $0x1400, $0x38;
	[tilespmem:$0x16900] =	vst v63  }
0x2c: {  	_ =	swait.ge [sflag:s13], $0x1400  }
0x2d: {  	[sflag:s13] =	ssyncset.done $0x0  }
0x2e: {  	[sflag:s13] =	ssyncadd.s32 $0xFFFFEC00  }
0x2f: {  	[tilespmem:s18], [sflag:$0x1] =	stream.linear.gather [hbm4b:s7+s2], $0x1400, $0x38;
	[tilespmem:$0x16900] =	vst v63  }
0x30: {  	_ =	swait.ge [sflag:s13], $0x1400  }
0x31: {  	[sflag:s13] =	ssyncset.done $0x0  }
0x32: {  	s0 =	simm.s32 $0x10440;
	[sflag:s13] =	ssyncadd.s32 $0xFFFFEC00  }
0x33: {  	[tilespmem:s0+$0xFFFFFFC0] =	vst v0  }
0x34: {  	[tilespmem:s0+$0x30] =	vst v0  }
0x35: {  	[tilespmem:s0+$0x20] =	vst v0  }
0x36: {  	[tilespmem:s0+$0x10] =	vst v0  }
0x37: {  	[tilespmem:s0+$0x0] =	vst v0  }
0x38: {  	[tilespmem:s0+$0xFFFFFFF0] =	vst v0  }
0x39: {  	s1 =	simm.s32 $0x0;
	[tilespmem:s0+$0xFFFFFFE0] =	vst v0  }
.LBB2_2:
0x3a: {  	s1 =	sadd.s32 $0x80, s1;
	[tilespmem:s0+$0xFFFFFFD0] =	vst v0;
	s0 =	sadd.s32 $0x80, s0;
	s15 =	simm.s32 $0x8C40  }
0x3b: {  	[tilespmem:s0+$0xFFFFFFC0] =	vst v0;
	p1 =	slt.u32 s1, $0x6380  }
0x3c: {  	[tilespmem:s0+$0x30] =	vst v0  }
.Ltmp2:
0x3d: {  	[tilespmem:s0+$0x20] =	vst v0;
	(pc) =	sbr.rel @p1 .LBB2_2-.Ltmp2, $4  }
0x3e: {  	[tilespmem:s0+$0x10] =	vst v0  }
0x3f: {  	[tilespmem:s0+$0x0] =	vst v0  }
0x40: {  	[tilespmem:s0+$0xFFFFFFF0] =	vst v0  }
0x41: {  	[tilespmem:s0+$0xFFFFFFE0] =	vst v0  }
0x42: {  	[tilespmem:s0+$0xFFFFFFD0] =	vst v0  }
0x43: {  	[tilespmem:s15+$0xFFFFFFC0] =	vst v1  }
0x44: {  	[tilespmem:s15+$0x30] =	vst v1  }
0x45: {  	[tilespmem:s15+$0x20] =	vst v1  }
0x46: {  	[tilespmem:s15+$0x10] =	vst v1  }
0x47: {  	s17 =	simm.s32 $0x0;
	[tilespmem:s15+$0x0] =	vst v1  }
0x48: {  	s12 =	simm.s32 $0x2820;
	s14 =	simm.s32 $0x1420;
	s16 =	simm.s32 $0x20;
	[tilespmem:s15+$0xFFFFFFF0] =	vst v1  }
0x49: {  	s0 =	simm.s32 $0x6420;
	s1 =	simm.s32 $0x5020;
	s11 =	simm.s32 $0x3C20;
	[tilespmem:s15+$0xFFFFFFE0] =	vst v1  }
.LBB2_4:
0x4a: {  	s17 =	sadd.s32 $0x80, s17;
	[tilespmem:s15+$0xFFFFFFD0] =	vst v1;
	s15 =	sadd.s32 $0x80, s15  }
0x4b: {  	[tilespmem:s15+$0xFFFFFFC0] =	vst v1;
	p1 =	slt.u32 s17, $0x1380  }
0x4c: {  	[tilespmem:s15+$0x30] =	vst v1  }
.Ltmp3:
0x4d: {  	[tilespmem:s15+$0x20] =	vst v1;
	(pc) =	sbr.rel @p1 .LBB2_4-.Ltmp3, $4  }
0x4e: {  	[tilespmem:s15+$0x10] =	vst v1  }
0x4f: {  	[tilespmem:s15+$0x0] =	vst v1  }
0x50: {  	[tilespmem:s15+$0xFFFFFFF0] =	vst v1  }
0x51: {  	[tilespmem:s15+$0xFFFFFFE0] =	vst v1  }
0x52: {  	[tilespmem:s15+$0xFFFFFFD0] =	vst v1  }
0x53: {  	v7 =	vld [tilespmem:s16+$0xFFFFFFF0];
	_ =	sdelay $0x2  }
0x54: {  	v8 =	vld [tilespmem:s16+$0x10]  }
0x55: {  	v14 =	vld [tilespmem:s16+$0x0]  }
0x56: {  	v9 =	vld [tilespmem:s16+$0xFFFFFFE0];
	vm4 =	vgt.f32 v7, $5.000000070e-02  }
0x57: {  	v4 =	vsel vm4, $0x1, v2  }
0x58: {  	(xrf0) =	vadd.scan.msk.s32 $0xffff, v4  }
0x59: {  	vm2 =	vgt.f32 v8, $5.000000070e-02  }
0x5a: {  	vm5 =	vgt.f32 v14, $5.000000070e-02;
	v4 =	vsel vm2, $0x1, v2  }
0x5b: {  	vm3 =	vgt.f32 v9, $5.000000070e-02;
	(xrf0) =	vadd.scan.msk.s32 $0xffff, v4;
	v4 =	vsel vm5, $0x1, v2  }
0x5c: {  	v5 =	vmpcnt.ones.xlane vm3  }
0x5d: {  	v15 =	vimm.s32 $0x0  }
0x5e: {  	v5 =	vadd.s32 v15, v5;
	(xrf0) =	vadd.scan.msk.s32 $0xffff, v4;
	v4, _, _ =	vpop (xrf0)  }
0x5f: {  	v10 =	vmpcnt.ones.xlane vm4;
	v4 =	vadd.s32 v4, v5  }
0x60: {  	v11 =	vsel vm3, $0x1, v2;
	v12 =	vmpcnt.ones.xlane vm5  }
0x61: {  	(xrf0) =	vadd.scan.msk.s32 $0xffff, v11;
	v5 =	vadd.s32 v5, v10;
	v6 =	vadd.s32 $0xFFFFFFFF, v4  }
0x62: {  	v16 =	vadd.s32 v5, v12;
	v4, _, _ =	vpop (xrf0)  }
0x63: {  	s31 =	simm.s32 $0x60;
	v4 =	vadd.s32 v4, v16  }
0x64: {  	v17 =	vlaneseq.u32;
	v13 =	vld [tilespmem:s31+$0xFFFFFFF0];
	v11, _, _ =	vpop (xrf0);
	v4 =	vadd.s32 $0xFFFFFFFF, v4  }
0x65: {  	v10 =	vld [tilespmem:s31+$0x0];
	v12 =	vadd.s32 $0x10, v17;
	v5 =	vadd.s32 v11, v5  }
0x66: {  	vm9 =	vmmov vm5;
	v11 =	vld [tilespmem:s31+$0x10];
	[tilespmem:v6+s19+$0x0] =	vst.idx.msk vm4, v12;
	v5 =	vadd.s32 $0xFFFFFFFF, v5  }
0x67: {  	vm0 =	vmmov vm4;
	v12 =	vld [tilespmem:s31+$0xFFFFFFE0];
	[tilespmem:v6+s20+$0x0] =	vst.idx.msk vm4, v7;
	v7, _, _ =	vpop (xrf0)  }
0x68: {  	vm3 =	vmmov vm3;
	v18 =	vld [tilespmem:s14+$0xFFFFFFF0];
	v7 =	vadd.s32 v7, v15;
	v15 =	vadd.s32 $0x30, v17  }
0x69: {  	vm4 =	vgt.f32 v13, $5.000000070e-02;
	v7 =	vadd.s32 $0xFFFFFFFF, v7;
	[tilespmem:v4+s19+$0x0] =	vst.idx.msk vm2, v15  }
0x6a: {  	v19 =	vadd.s32 $0x20, v17;
	v15 =	vsel vm4, $0x1, v2;
	[tilespmem:v4+s20+$0x0] =	vst.idx.msk vm2, v8  }
0x6b: {  	(xrf0) =	vadd.scan.msk.s32 $0xffff, v15;
	[tilespmem:v5+s19+$0x0] =	vst.idx.msk vm5, v19  }
0x6c: {  	vm6 =	vgt.f32 v11, $5.000000070e-02;
	v8 =	vld [tilespmem:s14+$0x10];
	[tilespmem:v5+s20+$0x0] =	vst.idx.msk vm9, v14  }
0x6d: {  	vm10 =	vgt.f32 v10, $5.000000070e-02;
	v15 =	vsel vm6, $0x1, v2;
	vm5 =	vgt.f32 v12, $5.000000070e-02;
	[tilespmem:v6+s21+$0x0] =	vst.idx.msk vm0, v18;
	v20 =	vld [tilespmem:s14+$0x0]  }
0x6e: {  	(xrf0) =	vadd.scan.msk.s32 $0xffff, v15;
	v15 =	vmpcnt.ones.xlane vm2;
	v18 =	vsel vm10, $0x1, v2;
	v19 =	vld [tilespmem:s12+$0xFFFFFFF0];
	[tilespmem:v7+s19+$0x0] =	vst.idx.msk vm3, v17  }
0x6f: {  	v14 =	vsel vm5, $0x1, v2;
	(xrf0) =	vadd.scan.msk.s32 $0xffff, v18;
	v18 =	vmpcnt.ones.xlane vm5;
	[tilespmem:v7+s20+$0x0] =	vst.idx.msk vm3, v9  }
0x70: {  	(xrf0) =	vadd.scan.msk.s32 $0xffff, v14;
	v14 =	vadd.s32 v16, v15;
	v9 =	vmpcnt.ones.xlane vm4;
	v21 =	vld [tilespmem:s14+$0xFFFFFFE0]  }
0x71: {  	vm1 =	vmmov vm2;
	v22 =	vmpcnt.ones.xlane vm10;
	v15 =	vadd.s32 v14, v18;
	[tilespmem:v4+s21+$0x0] =	vst.idx.msk vm2, v8;
	v8, _, _ =	vpop (xrf0)  }
0x72: {  	v16 =	vadd.s32 $0x40, v17;
	v9 =	vadd.s32 v15, v9;
	v17 =	vld [tilespmem:s12+$0x10];
	v8 =	vadd.s32 v8, v15;
	[tilespmem:v5+s21+$0x0] =	vst.idx.msk vm9, v20  }
0x73: {  	v20 =	vadd.s32 v9, v22;
	[tilespmem:v6+s22+$0x0] =	vst.idx.msk vm0, v19;
	v8 =	vadd.s32 $0xFFFFFFFF, v8  }
0x74: {  	vm8 =	vmmov vm10;
	v15 =	vmpcnt.ones.xlane vm6;
	v19, _, _ =	vpop (xrf0);
	v23 =	vld [tilespmem:s11+$0xFFFFFFF0]  }
0x75: {  	vm7 =	vmmov vm5;
	vm2 =	vmmov vm3;
	vm6 =	vmmov vm6;
	v25 =	vld [tilespmem:s12+$0x0];
	v22, _, _ =	vpop (xrf0);
	[tilespmem:v7+s21+$0x0] =	vst.idx.msk vm3, v21  }
0x76: {  	v19 =	vadd.s32 v19, v20;
	v15 =	vadd.s32 v20, v15;
	v9 =	vadd.s32 v22, v9;
	v20, _, _ =	vpop (xrf0);
	v24 =	vld [tilespmem:s12+$0xFFFFFFE0]  }
0x77: {  	v20 =	vadd.s32 v20, v14;
	v21 =	vadd.s32 $0xFFFFFFFF, v9;
	v14 =	vadd.s32 $0x10, v16;
	[tilespmem:v4+s22+$0x0] =	vst.idx.msk vm1, v17  }
0x78: {  	s29 =	simm.s32 $0x40;
	vm5 =	vmmov vm0;
	v9 =	vadd.s32 $0xFFFFFFFF, v19;
	vm1 =	vmmov vm1;
	[tilespmem:v8+s19+$0x0] =	vst.idx.msk vm4, v14  }
0x79: {  	s17 =	simm.s32 $0x1460;
	s30 =	simm.s32 $0xA0;
	s15 =	simm.s32 $0x5020;
	v18 =	vadd.s32 $0x20, v16;
	vm3 =	vmmov vm4;
	v19 =	vadd.s32 $0x40, v16;
	v22 =	vld [tilespmem:s11+$0x10];
	[tilespmem:v6+s23+$0x0] =	vst.idx.msk vm0, v23  }
0x7a: {  	s16 =	simm.s32 $0x2860;
	s14 =	simm.s32 $0x3C60;
	s12 =	simm.s32 $0x6420;
	v17 =	vmovc v21;
	vm4 =	vmmov vm4;
	[tilespmem:v5+s22+$0x0] =	vst.idx.msk vm9, v25;
	vm0 =	vmmov vm9;
	vm9 =	vmmov vm10;
	v14 =	vmovc v21;
	v23 =	vld [tilespmem:s1+$0xFFFFFFF0]  }
.LBB2_6:
0x7b: {  	v25 =	vadd.s32 $0x20, v19;
	s29 =	sadd.s32 $0x40, s29;
	[tilespmem:v7+s22+$0x0] =	vst.idx.msk vm2, v24;
	v24 =	vld [tilespmem:s11+$0x0];
	s0 =	sadd.s32 $0x40, s0;
	s1 =	sadd.s32 $0x40, s1;
	v26 =	vmov v15  }
0x7c: {  	v27 =	vld [tilespmem:s30+$0x0];
	p1 =	slt.u32 s29, $0x13C0;
	[tilespmem:v21+s19+$0x0] =	vst.idx.msk vm10, v18;
	v21 =	vadd.s32 $0x30, v16;
	v18 =	vmov v25  }
0x7d: {  	[tilespmem:v9+s19+$0x0] =	vst.idx.msk vm6, v21;
	v21 =	vld [tilespmem:s11+$0xFFFFFFE0];
	s11 =	smov.u32 s14  }
0x7e: {  	v20 =	vadd.s32 $0xFFFFFFFF, v20;
	v25 =	vld [tilespmem:s30+$0xFFFFFFF0];
	[tilespmem:v4+s23+$0x0] =	vst.idx.msk vm1, v22  }
0x7f: {  	v22 =	vld [tilespmem:s30+$0xFFFFFFE0];
	[tilespmem:v9+s20+$0x0] =	vst.idx.msk vm6, v11  }
0x80: {  	v11 =	vld [tilespmem:s30+$0x10];
	[tilespmem:v8+s20+$0x0] =	vst.idx.msk vm3, v13  }
0x81: {  	[tilespmem:v6+s24+$0x0] =	vst.idx.msk vm5, v23;
	v23 =	vld [tilespmem:s15+$0x10]  }
0x82: {  	v28 =	vld [tilespmem:s17+$0xFFFFFFF0];
	[tilespmem:v7+s23+$0x0] =	vst.idx.msk vm2, v21  }
0x83: {  	[tilespmem:v20+s19+$0x0] =	vst.idx.msk vm7, v16;
	v21 =	vld [tilespmem:s15+$0xFFFFFFE0];
	v13 =	vmov v25;
	v16 =	vmov v19  }
0x84: {  	vm13 =	vgt.f32 v22, $5.000000070e-02;
	vm11 =	vgt.f32 v13, $5.000000070e-02;
	[tilespmem:v14+s20+$0x0] =	vst.idx.msk vm8, v10;
	v25 =	vld [tilespmem:s17+$0x10];
	v10 =	vmov v27  }
0x85: {  	v27 =	vmpcnt.ones.xlane vm13;
	v29 =	vsel vm11, $0x1, v2;
	v30 =	vmpcnt.ones.xlane vm11;
	[tilespmem:v20+s20+$0x0] =	vst.idx.msk vm7, v12;
	v31 =	vld [tilespmem:s17+$0x0];
	v12 =	vmovc v22  }
0x86: {  	vm10 =	vgt.f32 v10, $5.000000070e-02;
	vm12 =	vgt.f32 v11, $5.000000070e-02;
	(xrf0) =	vadd.scan.msk.s32 $0xffff, v29;
	v22 =	vld [tilespmem:s12+$0xFFFFFFF0];
	[tilespmem:v5+s23+$0x0] =	vst.idx.msk vm0, v24  }
0x87: {  	v24 =	vsel vm13, $0x1, v2;
	v15 =	vadd.s32 v15, v27;
	v27 =	vsel vm12, $0x1, v2;
	[tilespmem:v8+s21+$0x0] =	vst.idx.msk vm3, v28;
	v28 =	vld [tilespmem:s15+$0x0];
	s15 =	smov.u32 s1  }
0x88: {  	v29 =	vadd.s32 v15, v30;
	v30 =	vsel vm10, $0x1, v2;
	(xrf0) =	vadd.scan.msk.s32 $0xffff, v27;
	v27 =	vld [tilespmem:s16+$0xFFFFFFF0];
	[tilespmem:v7+s24+$0x0] =	vst.idx.msk vm2, v21  }
0x89: {  	(xrf0) =	vadd.scan.msk.s32 $0xffff, v30;
	[tilespmem:v9+s21+$0x0] =	vst.idx.msk vm6, v25;
	v21 =	vld [tilespmem:s12+$0xFFFFFFE0]  }
0x8a: {  	(xrf0) =	vadd.scan.msk.s32 $0xffff, v24;
	[tilespmem:v14+s21+$0x0] =	vst.idx.msk vm8, v31;
	v25 =	vld [tilespmem:s16+$0x10]  }
0x8b: {  	v24 =	vld [tilespmem:s17+$0xFFFFFFE0];
	[tilespmem:v4+s24+$0x0] =	vst.idx.msk vm1, v23  }
0x8c: {  	v23 =	vmpcnt.ones.xlane vm10;
	v30, _, _ =	vpop (xrf0);
	[tilespmem:v5+s24+$0x0] =	vst.idx.msk vm0, v28;
	v28 =	vld [tilespmem:s12+$0x10]  }
0x8d: {  	v15 =	vadd.s32 v30, v15;
	v30 =	vmpcnt.ones.xlane vm12;
	[tilespmem:v8+s22+$0x0] =	vst.idx.msk vm3, v27;
	v27 =	vld [tilespmem:s16+$0x0]  }
0x8e: {  	v23 =	vadd.s32 v29, v23;
	v31, _, _ =	vpop (xrf0);
	v32 =	vld [tilespmem:s14+$0xFFFFFFF0];
	[tilespmem:v6+s25+$0x0] =	vst.idx.msk vm5, v22;
	v6 =	vmov v8;
	v8 =	vadd.s32 $0xFFFFFFFF, v15  }
0x8f: {  	v31 =	vadd.s32 v31, v23;
	v15 =	vadd.s32 v23, v30;
	v22, _, _ =	vpop (xrf0);
	[tilespmem:v7+s25+$0x0] =	vst.idx.msk vm2, v21;
	v30 =	vld [tilespmem:s12+$0x0];
	v7 =	vmov v20;
	s12 =	smov.u32 s0  }
0x90: {  	s17 =	sadd.s32 $0x40, s17;
	vm2 =	vmmov vm7;
	v21 =	vadd.s32 v22, v29;
	v22, _, _ =	vpop (xrf0);
	[tilespmem:v20+s21+$0x0] =	vst.idx.msk vm7, v24;
	vm7 =	vmmov vm13  }
0x91: {  	vm5 =	vmmov vm3;
	v20 =	vadd.s32 v22, v26;
	v21 =	vadd.s32 $0xFFFFFFFF, v21;
	v24 =	vld [tilespmem:s16+$0xFFFFFFE0];
	[tilespmem:v9+s22+$0x0] =	vst.idx.msk vm6, v25  }
.Ltmp4:
0x92: {  	vm3 =	vmmov vm11;
	v23 =	vadd.s32 $0x10, v19;
	v22 =	vld [tilespmem:s14+$0x10];
	[tilespmem:v4+s25+$0x0] =	vst.idx.msk vm1, v28;
	v4 =	vmovc v9;
	v9 =	vadd.s32 $0xFFFFFFFF, v31;
	(pc) =	sbr.rel @p1 .LBB2_6-.Ltmp4, $4  }
0x93: {  	vm1 =	vmmov vm6;
	vm6 =	vmmov vm12;
	[tilespmem:v8+s19+$0x0] =	vst.idx.msk vm11, v23  }
0x94: {  	[tilespmem:v6+s23+$0x0] =	vst.idx.msk vm4, v32;
	vm4 =	vmmov vm11  }
0x95: {  	v23 =	vld [tilespmem:s1+$0xFFFFFFF0];
	[tilespmem:v5+s25+$0x0] =	vst.idx.msk vm0, v30;
	v5 =	vmovc v14;
	v14 =	vmov v21;
	vm0 =	vmmov vm8;
	vm8 =	vmmov vm10  }
0x96: {  	s30 =	sadd.s32 $0x40, s30;
	v19 =	vadd.s32 $0x40, v19;
	s16 =	sadd.s32 $0x40, s16;
	s14 =	sadd.s32 $0x40, s14;
	[tilespmem:v17+s22+$0x0] =	vst.idx.msk vm9, v27;
	v17 =	vmov v21;
	vm9 =	vmmov vm10  }
0x97: {  	_ =	sdelay $0x4  }
0x98: {  	[tilespmem:v7+s22+$0x0] =	vst.idx.msk vm2, v24  }
0x99: {  	v19 =	vadd.s32 $0xFFFFFFFF, v20;
	[tilespmem:v21+s19+$0x0] =	vst.idx.msk vm10, v18  }
0x9a: {  	v43 =	vadd.s32 $0x30, v16;
	[tilespmem:v8+s20+$0x0] =	vst.idx.msk vm3, v13  }
0x9b: {  	[tilespmem:v9+s19+$0x0] =	vst.idx.msk vm6, v43  }
0x9c: {  	v46 =	vxor.u32 $0x80000000, v15;
	v50 =	vld [tilespmem:s11+$0x0];
	[tilespmem:v14+s20+$0x0] =	vst.idx.msk vm8, v10  }
0x9d: {  	v45 =	vld [tilespmem:s17+$0xFFFFFFF0];
	(xrf0) =	vmax.scan.msk.u32 $0xffff, v46;
	[tilespmem:v9+s20+$0x0] =	vst.idx.msk vm6, v11  }
0x9e: {  	v49 =	vld [tilespmem:s17+$0x0];
	[tilespmem:v19+s19+$0x0] =	vst.idx.msk vm7, v16  }
0x9f: {  	v48 =	vld [tilespmem:s17+$0x10];
	[tilespmem:v19+s20+$0x0] =	vst.idx.msk vm7, v12  }
0xa0: {  	[tilespmem:v4+s23+$0x0] =	vst.idx.msk vm1, v22;
	v47 =	vld [tilespmem:s17+$0xFFFFFFE0]  }
0xa1: {  	v44 =	vld [tilespmem:s11+$0xFFFFFFE0];
	[tilespmem:v6+s24+$0x0] =	vst.idx.msk vm5, v23  }
0xa2: {  	v55 =	vld [tilespmem:s15+$0x10];
	[tilespmem:v8+s21+$0x0] =	vst.idx.msk vm3, v45  }
0xa3: {  	v16 =	vld [tilespmem:s16+$0xFFFFFFF0];
	v52, _, _ =	vpop (xrf0);
	[tilespmem:v14+s21+$0x0] =	vst.idx.msk vm8, v49  }
0xa4: {  	[tilespmem:v9+s21+$0x0] =	vst.idx.msk vm6, v48;
	(v2sf) =	vpush v52, $0xF;
	v54 =	vld [tilespmem:s16+$0x0]  }
0xa5: {  	vm12 =	vmmov vm7;
	v53 =	vld [tilespmem:s16+$0x10];
	[tilespmem:v19+s21+$0x0] =	vst.idx.msk vm7, v47  }
0xa6: {  	[tilespmem:v5+s23+$0x0] =	vst.idx.msk vm0, v50;
	v51 =	vld [tilespmem:s16+$0xFFFFFFE0]  }
0xa7: {  	v57 =	vld [tilespmem:s12+$0xFFFFFFF0];
	[tilespmem:v7+s23+$0x0] =	vst.idx.msk vm2, v44  }
0xa8: {  	v56 =	vld [tilespmem:s15+$0x0];
	[tilespmem:v8+s22+$0x0] =	vst.idx.msk vm3, v16  }
0xa9: {  	vm14 =	vmmov vm8;
	v16 =	vld [tilespmem:s14+$0xFFFFFFF0];
	[tilespmem:v17+s22+$0x0] =	vst.idx.msk vm9, v54  }
0xaa: {  	vm13 =	vmmov vm6;
	[tilespmem:v9+s22+$0x0] =	vst.idx.msk vm6, v53;
	v11 =	vld [tilespmem:s14+$0x0]  }
0xab: {  	v12 =	vld [tilespmem:s14+$0x10];
	[tilespmem:v19+s22+$0x0] =	vst.idx.msk vm12, v51  }
0xac: {  	[tilespmem:v4+s24+$0x0] =	vst.idx.msk vm1, v55;
	v10 =	vld [tilespmem:s14+$0xFFFFFFE0]  }
0xad: {  	v13 =	vld [tilespmem:s15+$0xFFFFFFE0];
	[tilespmem:v5+s24+$0x0] =	vst.idx.msk vm0, v56  }
0xae: {  	s1 =	sadd.s32 $0x40, s1;
	vm15 =	vmmov vm3;
	v60 =	vld [tilespmem:s12+$0x10];
	[tilespmem:v8+s23+$0x0] =	vst.idx.msk vm4, v16  }
0xaf: {  	v16 =	vld [tilespmem:s1+$0xFFFFFFF0];
	[tilespmem:v14+s23+$0x0] =	vst.idx.msk vm14, v11  }
0xb0: {  	[tilespmem:v9+s23+$0x0] =	vst.idx.msk vm13, v12;
	v59 =	vld [tilespmem:s1+$0x0]  }
0xb1: {  	v12 =	vld [tilespmem:s1+$0x10];
	[tilespmem:v19+s23+$0x0] =	vst.idx.msk vm12, v10  }
0xb2: {  	[tilespmem:v7+s24+$0x0] =	vst.idx.msk vm2, v13;
	v10 =	vld [tilespmem:s1+$0xFFFFFFE0]  }
0xb3: {  	v61 =	vld [tilespmem:s12+$0x0];
	[tilespmem:v4+s25+$0x0] =	vst.idx.msk vm1, v60;
	s17 =	spop (v2sf)  }
0xb4: {  	s0 =	sadd.s32 $0x40, s0;
	v58 =	vld [tilespmem:s12+$0xFFFFFFE0];
	[tilespmem:v8+s24+$0x0] =	vst.idx.msk vm15, v16;
	s1 =	sadd.s32 $0x8000000F, s17  }
0xb5: {  	v62 =	vld [tilespmem:s0+$0xFFFFFFF0];
	[tilespmem:v14+s24+$0x0] =	vst.idx.msk vm14, v59;
	s29 =	sand.u32 $0xF, s1  }
0xb6: {  	[tilespmem:v9+s24+$0x0] =	vst.idx.msk vm13, v12;
	s30 =	sshra.s32 s1, $0x1F;
	p1 =	slt.s32 s1, $0x1;
	v4 =	vld [tilespmem:s0+$0x0];
	p2 =	sne.s32 s29, $0x0  }
0xb7: {  	v63 =	vld [tilespmem:s0+$0x10];
	s31 =	sshrl.u32 s30, $0x1C;
	p1 =	por !p1, !p2;
	[tilespmem:v19+s24+$0x0] =	vst.idx.msk vm12, v10  }
0xb8: {  	p1 =	por !p1, !p1;
	v10 =	vld [tilespmem:s0+$0xFFFFFFE0];
	s0 =	sadd.s32 s31, s1;
	s1 =	simm.s32 $0x1  }
0xb9: {  	s0 =	sshra.s32 s0, $0x4;
	s1 =	simm.s32 @!p1 $0x0  }
0xba: {  	[tilespmem:v6+s25+$0x0] =	vst.idx.msk vm5, v57;
	s11 =	ssub.s32 s0, s1  }
0xbb: {  	[tilespmem:v5+s25+$0x0] =	vst.idx.msk vm0, v61;
	s0 =	sshll.u32 s11, $0x4  }
0xbc: {  	[tilespmem:v7+s25+$0x0] =	vst.idx.msk vm2, v58;
	p1 =	slt.s32 s0, $0x40  }
.Ltmp5:
0xbd: {  	[tilespmem:v8+s25+$0x0] =	vst.idx.msk vm15, v62;
	(pc) =	sbr.rel @p1 .LBB2_8-.Ltmp5, $4  }
0xbe: {  	[tilespmem:v14+s25+$0x0] =	vst.idx.msk vm14, v4  }
0xbf: {  	[tilespmem:v9+s25+$0x0] =	vst.idx.msk vm13, v63  }
0xc0: {  	[tilespmem:v19+s25+$0x0] =	vst.idx.msk vm12, v10  }
0xc1: {  	s1 =	sand.u32 $0xFFFFFFC0, s0;
	[tilespmem:$0x168C0] =	vst v15  }
0xc2: {  	s14 =	simm.s32 $0x8C20  }
0xc3: {  	v9 =	vld [tilespmem:s14+$0xFFFFFFE0];
	_ =	sdelay $0x1  }
0xc4: {  	p1 =	sgt.s32 s1, $0x40;
	v6 =	vld [tilespmem:s14+$0xFFFFFFF0]  }
.Ltmp6:
0xc5: {  	_ = 	snop;
	(pc) =	sbr.rel @!p1 .LBB2_18-.Ltmp6, $4  }
0xc6: {  	v8 =	vimm.f32 $-2.000000000e+00;
	v5 =	vld [tilespmem:s14+$0x0]  }
0xc7: {  	v7 =	vimm.s32 $0x0;
	v4 =	vlaneseq.u32;
	vm0 =	vgt.f32 v9, v8  }
0xc8: {  	v8 =	vsel vm0, v9, v8;
	v9 =	vsel vm0, v4, v7;
	v7 =	vld [tilespmem:s14+$0x10]  }
0xc9: {  	s12 =	simm.s32 $0x40;
	v10 =	vadd.s32 $0x10, v4;
	s14 =	simm.s32 $0x8C60;
	vm0 =	vgt.f32 v6, v8  }
.LBB2_17:
0xca: {  	v11 =	vld [tilespmem:s14+$0xFFFFFFE0];
	s12 =	sadd.s32 $0x40, s12;
	v8 =	vsel vm0, v6, v8;
	v9 =	vsel vm0, v10, v9  }
0xcb: {  	v10 =	vadd.s32 $0x20, v4;
	p1 =	slt.s32 s12, s1;
	vm0 =	vgt.f32 v5, v8  }
0xcc: {  	v6 =	vld [tilespmem:s14+$0xFFFFFFF0];
	v8 =	vsel vm0, v5, v8;
	v9 =	vsel vm0, v10, v9  }
.Ltmp7:
0xcd: {  	v10 =	vadd.s32 $0x30, v4;
	vm0 =	vgt.f32 v7, v8;
	(pc) =	sbr.rel @p1 .LBB2_17-.Ltmp7, $4  }
0xce: {  	v5 =	vld [tilespmem:s14+$0x0];
	v7 =	vsel vm0, v7, v8;
	v9 =	vsel vm0, v10, v9  }
0xcf: {  	v4 =	vadd.s32 $0x40, v4;
	vm0 =	vgt.f32 v11, v7  }
0xd0: {  	v8 =	vsel vm0, v11, v7;
	v9 =	vsel vm0, v4, v9;
	v7 =	vld [tilespmem:s14+$0x10]  }
0xd1: {  	v10 =	vadd.s32 $0x10, v4;
	s14 =	sadd.s32 $0x40, s14;
	vm0 =	vgt.f32 v6, v8  }
.LBB2_18:
.Ltmp8:
0xd2: {  	v6 =	vsel vm0, v6, v8;
	(pc) =	sbr.rel .LBB2_9-.Ltmp8, $4  }
0xd3: {  	vm1 =	vgt.f32 v5, v6  }
0xd4: {  	v8 =	vsel vm0, v10, v9;
	v62 =	vadd.s32 $0x20, v4;
	v5 =	vsel vm1, v5, v6  }
0xd5: {  	v63 =	vadd.s32 $0x30, v4;
	v8 =	vsel vm1, v62, v8;
	vm15 =	vgt.f32 v7, v5  }
0xd6: {  	v4 =	vadd.s32 $0x40, v4;
	v6 =	vsel vm15, v7, v5;
	v5 =	vsel vm15, v63, v8  }
.LBB2_8:
0xd7: {  	v4 =	vlaneseq.u32;
	v5 =	vimm.s32 $0x0;
	v6 =	vimm.f32 $-2.000000000e+00  }
.LBB2_9:
0xd8: {  	p1 =	seq.s32 s1, s0  }
.Ltmp9:
0xd9: {  	_ = 	snop;
	(pc) =	sbr.rel @p1 .LBB2_12-.Ltmp9, $1  }
0xda: {  	_ =	sdelay $0x3  }
0xdb: {  	s11 =	sshll.u32 s11, $0x6  }
0xdc: {  	s11 =	sshra.s32 s11, $0x2  }
0xdd: {  	s11 =	sand.u32 $0xFFFFFFC0, s11  }
0xde: {  	s11 =	sadd.s32 $0x8C00, s11  }
.LBB2_11:
0xdf: {  	v7 =	vld [tilespmem:s11+$0x0];
	s1 =	sadd.s32 $0x10, s1  }
0xe0: {  	p1 =	slt.s32 s1, s0  }
.Ltmp10:
0xe1: {  	_ = 	snop;
	(pc) =	sbr.rel @p1 .LBB2_11-.Ltmp10, $3  }
0xe2: {  	_ =	sdelay $0x1  }
0xe3: {  	vm0 =	vgt.f32 v7, v6  }
0xe4: {  	s11 =	sadd.s32 $0x10, s11;
	v5 =	vsel vm0, v4, v5;
	v6 =	vsel vm0, v7, v6;
	v4 =	vadd.s32 $0x10, v4  }
.LBB2_12:
0xe5: {  	(xrf0) =	vmax.scan.msk.f32 $0xffff, v6;
	_ =	sdelay $0x5  }
0xe6: {  	v4, _, _ =	vpop (xrf0)  }
0xe7: {  	v7 =	vbroadcast v4, $0xF;
	_ =	sdelay $0x1  }
0xe8: {  	v5 =	vxor.u32 $0x80000000, v5;
	vm0 =	vge.f32 v6, v7  }
0xe9: {  	v5 =	vnsel vm0, $0xC0000000, v5  }
0xea: {  	(xrf0) =	vmin.scan.msk.u32 $0xffff, v5;
	_ =	sdelay $0x3  }
0xeb: {  	(v2sf) =	vpush v4, $0xF;
	_ =	sdelay $0x1  }
0xec: {  	v4, _, _ =	vpop (xrf0)  }
0xed: {  	(v2sf) =	vpush v4, $0xF;
	_ =	sdelay $0xb  }
0xee: {  	s0 =	spop (v2sf)  }
0xef: {  	p1 =	sgt.f32 s0, $0.0e+00  }
.Ltmp11:
0xf0: {  	_ = 	snop;
	(pc) =	sbr.rel @!p1 .LBB2_32-.Ltmp11, $4  }
.Ltmp12:
0xf1: {  	s1 =	spop (v2sf);
	(pc) =	sbr.rel @p1 .LBB2_13-.Ltmp12, $4  }
0xf2: {  	s1 =	sxor.u32 $0x80000000, s1  }
0xf3: {  	[tilespmem:$0x16810] =	vst v7;
	v9 =	vmov s1  }
0xf4: {  	s29 =	simm.s32 $0x0;
	[tilespmem:$0x168B0] =	vst v9  }
0xf5: {  	_ = 	snop  }
.LBB2_31:
0xf6: {  	(xrf0) =	vmax.scan.msk.f32 $0xffff, v11;
	_ =	sdelay $0x5  }
0xf7: {  	v4, _, _ =	vpop (xrf0)  }
0xf8: {  	v5 =	vbroadcast v4, $0xF;
	_ =	sdelay $0x1  }
0xf9: {  	v6 =	vxor.u32 $0x80000000, v10;
	vm0 =	vge.f32 v11, v5  }
0xfa: {  	v6 =	vnsel vm0, $0xC0000000, v6  }
0xfb: {  	(xrf0) =	vmin.scan.msk.u32 $0xffff, v6;
	_ =	sdelay $0x3  }
0xfc: {  	(v2sf) =	vpush v4, $0xF;
	_ =	sdelay $0x1  }
0xfd: {  	v4, _, _ =	vpop (xrf0)  }
0xfe: {  	(v2sf) =	vpush v4, $0xF;
	_ =	sdelay $0xb  }
0xff: {  	s0 =	spop (v2sf)  }
0x100: {  	p1 =	sgt.f32 s0, $0.0e+00  }
.Ltmp13:
0x101: {  	_ = 	snop;
	(pc) =	sbr.rel @!p1 .LBB2_32-.Ltmp13, $4  }
0x102: {  	s1 =	spop (v2sf)  }
0x103: {  	s1 =	sxor.u32 $0x80000000, s1  }
0x104: {  	[tilespmem:$0x16810] =	vst v5;
	v9 =	vmov s1  }
0x105: {  	s29 =	sadd.s32 $0x1, s29;
	[tilespmem:$0x168B0] =	vst v9  }
.LBB2_13:
0x106: {  	_ =	sdelay $0x3  }
0x107: {  	v4 =	vld.idx.msk [tilespmem:v9+s19+$0x0], $0xffff;
	_ =	sdelay $0x4  }
0x108: {  	v11 =	vmul.u32 $0x5, v4  }
0x109: {  	v4 =	vld.idx.msk [tilespmem:v9+s21+$0x0], $0xffff  }
0x10a: {  	v5 =	vld.idx.msk [tilespmem:v9+s22+$0x0], $0xffff;
	v12 =	vadd.s32 $0x1, v11  }
0x10b: {  	v6 =	vld.idx.msk [tilespmem:v9+s23+$0x0], $0xffff;
	v13 =	vadd.s32 $0x2, v11  }
0x10c: {  	v7 =	vld.idx.msk [tilespmem:v9+s24+$0x0], $0xffff;
	v14 =	vadd.s32 $0x3, v11  }
0x10d: {  	v10 =	vld [tilespmem:$0x16810];
	s0 =	sand.u32 $0x1F, s29;
	v15 =	vadd.s32 $0x4, v11  }
0x10e: {  	v8 =	vld.idx.msk [tilespmem:v9+s25+$0x0], $0xffff;
	p1 =	sne.s32 s0, $0x1F;
	[tilespmem:v11+s26+$0x0] =	vst.idx.msk $0x1, v4  }
.Ltmp14:
0x10f: {  	[tilespmem:v12+s26+$0x0] =	vst.idx.msk $0x1, v5;
	(pc) =	sbr.rel @p1 .LBB2_26-.Ltmp14, $4  }
0x110: {  	[tilespmem:v13+s26+$0x0] =	vst.idx.msk $0x1, v6  }
0x111: {  	[tilespmem:v14+s26+$0x0] =	vst.idx.msk $0x1, v7  }
0x112: {  	[tilespmem:v15+s26+$0x0] =	vst.idx.msk $0x1, v10  }
0x113: {  	[tilespmem:v9+s20+$0x0] =	vst.idx.msk $0x1, v1  }
0x114: {  	v9 =	vld [tilespmem:$0x168C0];
	_ =	sdelay $0x4  }
0x115: {  	v9 =	vxor.u32 $0x80000000, v9  }
0x116: {  	(xrf0) =	vmax.scan.msk.u32 $0xffff, v9;
	_ =	sdelay $0x5  }
0x117: {  	v9, _, _ =	vpop (xrf0)  }
0x118: {  	(v2sf) =	vpush v9, $0xF;
	_ =	sdelay $0xe  }
0x119: {  	s0 =	spop (v2sf)  }
0x11a: {  	s0 =	sadd.s32 $0x8000000F, s0  }
0x11b: {  	s1 =	sand.u32 $0xF, s0  }
0x11c: {  	s31 =	sshra.s32 s0, $0x1F;
	p2 =	slt.s32 s0, $0x1;
	p1 =	sne.s32 s1, $0x0  }
0x11d: {  	s1 =	sshrl.u32 s31, $0x1C;
	p1 =	por !p2, !p1  }
0x11e: {  	s0 =	sadd.s32 s1, s0;
	s1 =	simm.s32 $0x1;
	p1 =	por !p1, !p1  }
0x11f: {  	s0 =	sshra.s32 s0, $0x4;
	s1 =	simm.s32 @!p1 $0x0  }
0x120: {  	s0 =	ssub.s32 s0, s1  }
0x121: {  	p1 =	slt.s32 s0, $0x1  }
.Ltmp15:
0x122: {  	_ = 	snop;
	(pc) =	sbr.rel @p1 .LBB2_15-.Ltmp15, $1  }
0x123: {  	_ =	sdelay $0x3  }
0x124: {  	s1 =	simm.s32 $0x8C00  }
0x125: {  	v9 =	vld [tilespmem:s1+$0x0];
	_ =	sdelay $0x4  }
0x126: {  	vm0 =	vgt.f32 v9, $0.0e+00  }
0x127: {  	v10 =	vsel vm0, $0x1, v2  }
0x128: {  	(xrf0) =	vadd.scan.msk.s32 $0xffff, v10;
	_ =	sdelay $0x5  }
0x129: {  	v11 =	vimm.s32 $0x0;
	v10, _, _ =	vpop (xrf0)  }
0x12a: {  	s11 =	simm.s32 $0x7800;
	v10 =	vadd.s32 v10, v11  }
0x12b: {  	v12 =	vld [tilespmem:s11+$0x0];
	v10 =	vadd.s32 $0xFFFFFFFF, v10;
	_ =	sdelay $0x4  }
0x12c: {  	[tilespmem:v10+s19+$0x0] =	vst.idx.msk vm0, v12  }
0x12d: {  	s12 =	simm.s32 $0xA000;
	[tilespmem:v10+s20+$0x0] =	vst.idx.msk vm0, v9  }
0x12e: {  	v9 =	vld [tilespmem:s12+$0x0];
	_ =	sdelay $0x4  }
0x12f: {  	s14 =	simm.s32 $0xB400;
	[tilespmem:v10+s21+$0x0] =	vst.idx.msk vm0, v9  }
0x130: {  	v9 =	vld [tilespmem:s14+$0x0];
	_ =	sdelay $0x4  }
0x131: {  	s17 =	simm.s32 $0xC800;
	[tilespmem:v10+s22+$0x0] =	vst.idx.msk vm0, v9  }
0x132: {  	v9 =	vld [tilespmem:s17+$0x0];
	_ =	sdelay $0x4  }
0x133: {  	s31 =	simm.s32 $0xDC00;
	[tilespmem:v10+s23+$0x0] =	vst.idx.msk vm0, v9  }
0x134: {  	v9 =	vld [tilespmem:s31+$0x0];
	_ =	sdelay $0x3  }
0x135: {  	v63 =	vmpcnt.ones.xlane vm0  }
0x136: {  	s16 =	simm.s32 $0xF000;
	p1 =	sne.s32 s0, $0x1;
	[tilespmem:v10+s24+$0x0] =	vst.idx.msk vm0, v9  }
.Ltmp16:
0x137: {  	v9 =	vadd.s32 v11, v63;
	v11 =	vld [tilespmem:s16+$0x0];
	(pc) =	sbr.rel @!p1 .LBB2_21-.Ltmp16, $3  }
0x138: {  	_ =	sdelay $0x1  }
0x139: {  	s15 =	simm.s32 $0xF010;
	s30 =	simm.s32 $0xDC10  }
0x13a: {  	s14 =	sadd.s32 $0xFFFFFFFF, s0;
	s17 =	simm.s32 $0xC810;
	s16 =	simm.s32 $0xB410  }
.LBB2_20:
0x13b: {  	[tilespmem:v10+s25+$0x0] =	vst.idx.msk vm0, v11;
	s1 =	sadd.s32 $0x10, s1;
	s11 =	sadd.s32 $0x10, s11;
	s12 =	sadd.s32 $0x10, s12;
	v10 =	vmov v9  }
0x13c: {  	p1 =	sne.s32 s14, $0x1;
	s14 =	sadd.s32 $0xFFFFFFFF, s14;
	v11 =	vld [tilespmem:s1+$0x0];
	_ =	sdelay $0x4  }
0x13d: {  	vm0 =	vgt.f32 v11, $0.0e+00  }
0x13e: {  	v12 =	vsel vm0, $0x1, v2;
	v13 =	vmpcnt.ones.xlane vm0  }
0x13f: {  	(xrf0) =	vadd.scan.msk.s32 $0xffff, v12  }
0x140: {  	v9 =	vadd.s32 v9, v13;
	_ =	sdelay $0x4  }
0x141: {  	v12, _, _ =	vpop (xrf0)  }
0x142: {  	v10 =	vadd.s32 v12, v10  }
0x143: {  	v10 =	vadd.s32 $0xFFFFFFFF, v10;
	v12 =	vld [tilespmem:s11+$0x0];
	_ =	sdelay $0x4  }
0x144: {  	[tilespmem:v10+s19+$0x0] =	vst.idx.msk vm0, v12  }
0x145: {  	[tilespmem:v10+s20+$0x0] =	vst.idx.msk vm0, v11  }
0x146: {  	v11 =	vld [tilespmem:s12+$0x0];
	_ =	sdelay $0x4  }
0x147: {  	[tilespmem:v10+s21+$0x0] =	vst.idx.msk vm0, v11  }
0x148: {  	v11 =	vld [tilespmem:s16+$0x0];
	_ =	sdelay $0x4  }
0x149: {  	[tilespmem:v10+s22+$0x0] =	vst.idx.msk vm0, v11  }
0x14a: {  	v11 =	vld [tilespmem:s17+$0x0];
	_ =	sdelay $0x4  }
0x14b: {  	[tilespmem:v10+s23+$0x0] =	vst.idx.msk vm0, v11  }
0x14c: {  	v11 =	vld [tilespmem:s30+$0x0];
	_ =	sdelay $0x4  }
0x14d: {  	[tilespmem:v10+s24+$0x0] =	vst.idx.msk vm0, v11  }
.Ltmp17:
0x14e: {  	v11 =	vld [tilespmem:s15+$0x0];
	(pc) =	sbr.rel @p1 .LBB2_20-.Ltmp17, $3  }
0x14f: {  	_ =	sdelay $0x1  }
0x150: {  	s15 =	sadd.s32 $0x10, s15  }
0x151: {  	s16 =	sadd.s32 $0x10, s16;
	s17 =	sadd.s32 $0x10, s17;
	s30 =	sadd.s32 $0x10, s30  }
.LBB2_21:
0x152: {  	_ = 	snop  }
.Ltmp18:
0x153: {  	_ = 	snop;
	(pc) =	sbr.rel .LBB2_22-.Ltmp18, $2  }
0x154: {  	_ =	sdelay $0x2  }
0x155: {  	[tilespmem:v10+s25+$0x0] =	vst.idx.msk vm0, v11;
	v9 =	vxor.u32 $0x80000000, v9  }
.LBB2_15:
0x156: {  	v9 =	vimm.s32 $0x80000000  }
.LBB2_22:
0x157: {  	(xrf0) =	vmax.scan.msk.u32 $0xffff, v9;
	_ =	sdelay $0x5  }
0x158: {  	v9, _, _ =	vpop (xrf0)  }
0x159: {  	(v2sf) =	vpush v9, $0xF;
	_ =	sdelay $0xe  }
0x15a: {  	s11 =	spop (v2sf)  }
0x15b: {  	s1 =	sxor.u32 $0x80000000, s11  }
0x15c: {  	p2 =	sgt.s32 s11, $0xFFFFFFFF;
	s11 =	sand.u32 $0xF, s11;
	p1 =	slt.s32 s1, $0x1  }
0x15d: {  	s12 =	sshra.s32 s1, $0x1F;
	p6 =	sne.s32 s11, $0x0;
	p1 =	por p2, p1  }
0x15e: {  	s30 =	sshrl.u32 s12, $0x1C;
	p1 =	por !p6, !p1  }
0x15f: {  	s12 =	simm.s32 $0x1;
	s11 =	sadd.s32 s30, s1;
	p1 =	por !p1, !p1  }
0x160: {  	s11 =	sshra.s32 s11, $0x4;
	s12 =	simm.s32 @!p1 $0x0  }
0x161: {  	s11 =	ssub.s32 s11, s12  }
0x162: {  	s14 =	sshll.u32 s11, $0x4  }
0x163: {  	s12 =	sadd.s32 $0x1, s11;
	v9 =	vld [tilespmem:s14+$0x8C00]  }
0x164: {  	p1 =	sge.s32 s12, s0  }
.Ltmp19:
0x165: {  	s31 =	ssub.s32 s1, s14;
	(pc) =	sbr.rel @p1 .LBB2_25-.Ltmp19, $4  }
0x166: {  	v10 =	vmov s31  }
0x167: {  	vm0 =	vlt.s32 v10, v3  }
0x168: {  	v9 =	vsel vm0, $0xBF800000, v9  }
0x169: {  	[tilespmem:s14+$0x8C00] =	vst v9  }
0x16a: {  	s11 =	sshll.u32 s11, $0x6  }
0x16b: {  	s14 =	sshra.s32 s11, $0x2;
	s11 =	sadd.s32 $0x1, s12  }
0x16c: {  	p1 =	slt.s32 s11, s0  }
.Ltmp20:
0x16d: {  	_ = 	snop;
	(pc) =	sbr.rel @!p1 .LBB2_25-.Ltmp20, $3  }
0x16e: {  	_ =	sdelay $0x1  }
0x16f: {  	s12 =	sadd.s32 $0x8C10, s14  }
0x170: {  	[tilespmem:s12+$0x0] =	vst v1  }
.LBB2_24:
0x171: {  	s11 =	sadd.s32 $0x1, s11  }
0x172: {  	p1 =	slt.s32 s11, s0  }
.Ltmp21:
0x173: {  	_ = 	snop;
	(pc) =	sbr.rel @p1 .LBB2_24-.Ltmp21, $3  }
0x174: {  	_ =	sdelay $0x1  }
0x175: {  	s12 =	sadd.s32 $0x10, s12  }
0x176: {  	[tilespmem:s12+$0x0] =	vst v1  }
.LBB2_25:
0x177: {  	v9 =	vmov s1  }
0x178: {  	[tilespmem:$0x168C0] =	vst v9  }
.LBB2_26:
0x179: {  	v9 =	vld [tilespmem:$0x168C0];
	_ =	sdelay $0x4  }
0x17a: {  	v9 =	vxor.u32 $0x80000000, v9  }
0x17b: {  	(xrf0) =	vmax.scan.msk.u32 $0xffff, v9;
	_ =	sdelay $0x5  }
0x17c: {  	v9, _, _ =	vpop (xrf0)  }
0x17d: {  	(v2sf) =	vpush v9, $0xF;
	_ =	sdelay $0xe  }
0x17e: {  	s0 =	spop (v2sf)  }
0x17f: {  	s0 =	sadd.s32 $0x8000000F, s0  }
0x180: {  	s1 =	sand.u32 $0xF, s0  }
0x181: {  	s11 =	sshra.s32 s0, $0x1F;
	p1 =	slt.s32 s0, $0x1;
	p2 =	sne.s32 s1, $0x0  }
0x182: {  	s17 =	sshrl.u32 s11, $0x1C;
	p1 =	por !p1, !p2  }
0x183: {  	s1 =	simm.s32 $0x1;
	s0 =	sadd.s32 s17, s0;
	p1 =	por !p1, !p1  }
0x184: {  	s0 =	sshra.s32 s0, $0x4;
	s1 =	simm.s32 @!p1 $0x0  }
0x185: {  	s1 =	ssub.s32 s0, s1  }
0x186: {  	s30 =	sshll.u32 s1, $0x4  }
0x187: {  	p1 =	slt.s32 s30, $0x80  }
.Ltmp22:
0x188: {  	_ = 	snop;
	(pc) =	sbr.rel @p1 .LBB2_27-.Ltmp22, $2  }
0x189: {  	_ =	sdelay $0x2  }
0x18a: {  	s31 =	sand.u32 $0xFFFFFF80, s30  }
0x18b: {  	s16 =	simm.s32 $0xF040  }
0x18c: {  	v14 =	vld [tilespmem:s16+$0x30]  }
0x18d: {  	v15 =	vld [tilespmem:s16+$0x20]  }
0x18e: {  	s11 =	simm.s32 $0xA040;
	v16 =	vld [tilespmem:s16+$0x10]  }
0x18f: {  	s12 =	simm.s32 $0xB440;
	v17 =	vld [tilespmem:s11+$0x30]  }
0x190: {  	s14 =	simm.s32 $0xC840;
	v20 =	vld [tilespmem:s12+$0x30]  }
0x191: {  	s15 =	simm.s32 $0xDC40;
	v21 =	vld [tilespmem:s14+$0x30]  }
0x192: {  	v22 =	vld [tilespmem:s15+$0x30]  }
0x193: {  	v23 =	vld [tilespmem:s16+$0x0]  }
0x194: {  	v24 =	vld [tilespmem:s11+$0x20]  }
0x195: {  	v25 =	vld [tilespmem:s12+$0x20]  }
0x196: {  	v26 =	vld [tilespmem:s14+$0x20]  }
0x197: {  	v27 =	vld [tilespmem:s15+$0x20]  }
0x198: {  	v28 =	vld [tilespmem:s16+$0xFFFFFFF0]  }
0x199: {  	v29 =	vld [tilespmem:s11+$0x10]  }
0x19a: {  	v30 =	vld [tilespmem:s12+$0x10]  }
0x19b: {  	v31 =	vld [tilespmem:s14+$0x10]  }
0x19c: {  	v32 =	vld [tilespmem:s15+$0x10]  }
0x19d: {  	v33 =	vld [tilespmem:s16+$0xFFFFFFE0]  }
0x19e: {  	v34 =	vld [tilespmem:s11+$0x0]  }
0x19f: {  	v35 =	vld [tilespmem:s12+$0x0]  }
0x1a0: {  	v36 =	vld [tilespmem:s14+$0x0]  }
0x1a1: {  	v37 =	vld [tilespmem:s15+$0x0]  }
0x1a2: {  	v38 =	vld [tilespmem:s16+$0xFFFFFFD0]  }
0x1a3: {  	v39 =	vld [tilespmem:s11+$0xFFFFFFF0]  }
0x1a4: {  	v13 =	vimm.f32 $-2.000000000e+00;
	v12 =	vimm.s32 $0x0;
	v9 =	vlaneseq.u32;
	v40 =	vld [tilespmem:s12+$0xFFFFFFF0]  }
0x1a5: {  	v41 =	vld [tilespmem:s14+$0xFFFFFFF0];
	v11 =	vadd.s32 $0x40, v9;
	v10 =	vadd.s32 $0x50, v9;
	v19 =	vadd.f32 v14, v8  }
0x1a6: {  	v42 =	vld [tilespmem:s15+$0xFFFFFFF0];
	v16 =	vadd.f32 v16, v8;
	v18 =	vadd.f32 v15, v8;
	v15 =	vmax.f32 v4, v17  }
0x1a7: {  	v43 =	vld [tilespmem:s11+$0xFFFFFFE0];
	v20 =	vmax.f32 v5, v20;
	v44 =	vmin.f32 v6, v21;
	v45 =	vmin.f32 v7, v22  }
0x1a8: {  	v46 =	vld [tilespmem:s12+$0xFFFFFFE0];
	v21 =	vadd.f32 v23, v8;
	v23 =	vmax.f32 v4, v24;
	v25 =	vmax.f32 v5, v25  }
0x1a9: {  	v47 =	vld [tilespmem:s14+$0xFFFFFFE0];
	v17 =	vadd.f32 v28, v8;
	v28 =	vmin.f32 v6, v26;
	v27 =	vmin.f32 v7, v27  }
0x1aa: {  	v48 =	vld [tilespmem:s15+$0xFFFFFFE0];
	v29 =	vmax.f32 v4, v29;
	v30 =	vmax.f32 v5, v30;
	v31 =	vmin.f32 v6, v31  }
0x1ab: {  	v49 =	vld [tilespmem:s11+$0xFFFFFFD0];
	v22 =	vadd.f32 v33, v8;
	v56 =	vmax.f32 v4, v34;
	v32 =	vmin.f32 v7, v32  }
0x1ac: {  	v62 =	vld [tilespmem:s12+$0xFFFFFFD0];
	v35 =	vmax.f32 v5, v35;
	v36 =	vmin.f32 v6, v36;
	v37 =	vmin.f32 v7, v37  }
0x1ad: {  	v50 =	vld [tilespmem:s14+$0xFFFFFFD0];
	v24 =	vadd.f32 v38, v8;
	v63 =	vmax.f32 v4, v39;
	v39 =	vmax.f32 v5, v40  }
0x1ae: {  	v59 =	vld [tilespmem:s11+$0xFFFFFFC0];
	v57 =	vmin.f32 v6, v41;
	v58 =	vmin.f32 v7, v42;
	v43 =	vmax.f32 v4, v43  }
0x1af: {  	v14 =	vld [tilespmem:s16+$0xFFFFFFC0];
	v46 =	vmax.f32 v5, v46;
	v47 =	vmin.f32 v6, v47;
	v44 =	vsub.f32 v44, v15  }
0x1b0: {  	v51 =	vld [tilespmem:s12+$0xFFFFFFC0];
	v49 =	vmax.f32 v4, v49;
	v52 =	vsub.f32 v28, v23;
	v23 =	vsub.f32 v45, v20  }
0x1b1: {  	v48 =	vmin.f32 v7, v48;
	v61 =	vsub.f32 v31, v29;
	v25 =	vsub.f32 v27, v25  }
0x1b2: {  	v34 =	vmax.f32 v5, v62;
	v15 =	vld [tilespmem:s14+$0xFFFFFFC0];
	v53 =	vsub.f32 v36, v56;
	v54 =	vsub.f32 v32, v30  }
0x1b3: {  	v60 =	vmin.f32 v6, v50;
	v20 =	vld [tilespmem:s15+$0xFFFFFFC0];
	v28 =	vsub.f32 v57, v63;
	v62 =	vsub.f32 v37, v35  }
0x1b4: {  	v29 =	vmax.f32 v4, v59;
	v32 =	vsub.f32 v47, v43;
	v26 =	vadd.f32 v14, v8;
	v14 =	vld [tilespmem:s15+$0xFFFFFFD0]  }
0x1b5: {  	s0 =	simm.s32 $0x8C40;
	p1 =	sgt.s32 s31, $0x80;
	v63 =	vmax.f32 v5, v51;
	v30 =	vsub.f32 v58, v39;
	v33 =	vsub.f32 v60, v49  }
.Ltmp23:
0x1b6: {  	v31 =	vsub.f32 v48, v46;
	v36 =	vmax.f32 v44, $0.0e+00;
	v38 =	vmax.f32 v23, $0.0e+00;
	v23 =	vld [tilespmem:s0+$0x0];
	(pc) =	sbr.rel @!p1 .LBB2_36-.Ltmp23, $4  }
0x1b7: {  	v35 =	vmax.f32 v61, $0.0e+00;
	v42 =	vmax.f32 v25, $0.0e+00;
	v25 =	vld [tilespmem:s0+$0xFFFFFFF0];
	v15 =	vmin.f32 v6, v15  }
0x1b8: {  	v41 =	vmax.f32 v52, $0.0e+00;
	v39 =	vmax.f32 v53, $0.0e+00;
	v37 =	vsub.f32 v15, v29;
	v15 =	vld [tilespmem:s0+$0x20]  }
0x1b9: {  	v40 =	vmax.f32 v62, $0.0e+00;
	v20 =	vmin.f32 v7, v20;
	v27 =	vmin.f32 v7, v14;
	v14 =	vld [tilespmem:s0+$0x30]  }
0x1ba: {  	s17 =	simm.s32 $0xF0C0;
	s16 =	simm.s32 $0x80;
	v43 =	vmax.f32 v54, $0.0e+00;
	v29 =	vsub.f32 v27, v34;
	v34 =	vsub.f32 v20, v63;
	v20 =	vld [tilespmem:s0+$0x10]  }
.LBB2_35:
0x1bb: {  	v27 =	vld [tilespmem:s17+$0x30];
	v32 =	vmax.f32 v32, $0.0e+00;
	v44 =	vmax.f32 v28, $0.0e+00;
	v30 =	vmax.f32 v30, $0.0e+00  }
0x1bc: {  	v37 =	vmax.f32 v37, $0.0e+00;
	v33 =	vmax.f32 v33, $0.0e+00;
	v31 =	vmax.f32 v31, $0.0e+00;
	v45 =	vld [tilespmem:s0+$0xFFFFFFE0]  }
0x1bd: {  	v34 =	vmax.f32 v34, $0.0e+00;
	v41 =	vmul.f32 v42, v41;
	v36 =	vmul.f32 v38, v36;
	v28 =	vld [tilespmem:s17+$0x20]  }
0x1be: {  	v38 =	vmax.f32 v29, $0.0e+00;
	v35 =	vmul.f32 v43, v35;
	v34 =	vmul.f32 v34, v37;
	v37 =	vld [tilespmem:s0+$0xFFFFFFD0]  }
0x1bf: {  	v39 =	vmul.f32 v40, v39;
	s11 =	sadd.s32 $0x80, s11;
	v42 =	vmul.f32 v30, v44;
	v19 =	vsub.f32 v19, v36;
	v29 =	vld [tilespmem:s17+$0x10]  }
0x1c0: {  	s12 =	sadd.s32 $0x80, s12;
	v33 =	vmul.f32 v38, v33;
	v18 =	vsub.f32 v18, v41;
	v40 =	vsub.f32 v26, v34;
	v30 =	vld [tilespmem:s11+$0x30]  }
0x1c1: {  	v31 =	vmul.f32 v31, v32;
	v21 =	vsub.f32 v21, v39;
	v16 =	vsub.f32 v16, v35;
	v26 =	vld [tilespmem:s12+$0x30]  }
0x1c2: {  	s14 =	sadd.s32 $0x80, s14;
	v24 =	vsub.f32 v24, v33;
	v38 =	vadd.f32 $9.999999710e-10, v40;
	v40 =	vadd.s32 $0x30, v9;
	v32 =	vld [tilespmem:s0+$0xFFFFFFC0]  }
0x1c3: {  	s15 =	sadd.s32 $0x80, s15;
	v44 =	vadd.s32 $0x20, v9;
	v22 =	vsub.f32 v22, v31;
	v17 =	vsub.f32 v17, v42;
	v43 =	vld [tilespmem:s14+$0x30]  }
0x1c4: {  	v19 =	vadd.f32 $9.999999710e-10, v19;
	v24 =	vadd.f32 $9.999999710e-10, v24;
	v38 =	vmul.f32 $3.000000120e-01, v38;
	v46 =	vld [tilespmem:s15+$0x30]  }
0x1c5: {  	v48 =	vadd.s32 $0x10, v9;
	v16 =	vadd.f32 $9.999999710e-10, v16;
	v18 =	vadd.f32 $9.999999710e-10, v18;
	v47 =	vld [tilespmem:s17+$0x0]  }
0x1c6: {  	v22 =	vadd.f32 $9.999999710e-10, v22;
	v24 =	vmul.f32 $3.000000120e-01, v24;
	vm0 =	vgt.f32 v34, v38;
	v49 =	vld [tilespmem:s11+$0x20]  }
0x1c7: {  	v21 =	vadd.f32 $9.999999710e-10, v21;
	v17 =	vadd.f32 $9.999999710e-10, v17;
	v34 =	vld [tilespmem:s12+$0x20];
	v32 =	vsel vm0, $0xBF800000, v32  }
0x1c8: {  	v22 =	vmul.f32 $3.000000120e-01, v22;
	vm1 =	vgt.f32 v33, v24;
	v38 =	vld [tilespmem:s14+$0x20];
	[tilespmem:s0+$0xFFFFFFC0] =	vst v32;
	vm0 =	vgt.f32 v32, v13  }
0x1c9: {  	v24 =	vld [tilespmem:s15+$0x20];
	v13 =	vsel vm0, v32, v13;
	v12 =	vsel vm0, v9, v12;
	v32 =	vsel vm1, $0xBF800000, v37  }
0x1ca: {  	v17 =	vmul.f32 $3.000000120e-01, v17;
	vm1 =	vgt.f32 v31, v22;
	v33 =	vld [tilespmem:s17+$0xFFFFFFF0];
	[tilespmem:s0+$0xFFFFFFD0] =	vst v32;
	vm0 =	vgt.f32 v32, v13  }
0x1cb: {  	v31 =	vsel vm1, $0xBF800000, v45;
	v22 =	vld [tilespmem:s11+$0x10];
	v13 =	vsel vm0, v32, v13;
	v12 =	vsel vm0, v48, v12  }
0x1cc: {  	vm1 =	vgt.f32 v42, v17;
	v17 =	vmul.f32 $3.000000120e-01, v21;
	v32 =	vld [tilespmem:s12+$0x10];
	[tilespmem:s0+$0xFFFFFFE0] =	vst v31;
	vm0 =	vgt.f32 v31, v13  }
0x1cd: {  	v21 =	vsel vm1, $0xBF800000, v25;
	v37 =	vld [tilespmem:s14+$0x10];
	v13 =	vsel vm0, v31, v13;
	v12 =	vsel vm0, v44, v12  }
0x1ce: {  	v16 =	vmul.f32 $3.000000120e-01, v16;
	vm1 =	vgt.f32 v39, v17;
	v25 =	vld [tilespmem:s15+$0x10];
	[tilespmem:s0+$0xFFFFFFF0] =	vst v21;
	vm0 =	vgt.f32 v21, v13  }
0x1cf: {  	v17 =	vsel vm1, $0xBF800000, v23;
	v31 =	vld [tilespmem:s17+$0xFFFFFFE0];
	v13 =	vsel vm0, v21, v13;
	v12 =	vsel vm0, v40, v12  }
0x1d0: {  	vm1 =	vgt.f32 v35, v16;
	v16 =	vmul.f32 $3.000000120e-01, v18;
	v23 =	vld [tilespmem:s11+$0x0];
	[tilespmem:s0+$0x0] =	vst v17;
	vm0 =	vgt.f32 v17, v13  }
0x1d1: {  	v35 =	vld [tilespmem:s12+$0x0];
	v13 =	vsel vm0, v17, v13;
	v11 =	vsel vm0, v11, v12;
	v12 =	vsel vm1, $0xBF800000, v20  }
0x1d2: {  	vm1 =	vgt.f32 v41, v16;
	v16 =	vmul.f32 $3.000000120e-01, v19;
	v20 =	vld [tilespmem:s14+$0x0];
	[tilespmem:s0+$0x10] =	vst v12;
	vm0 =	vgt.f32 v12, v13  }
0x1d3: {  	v39 =	vld [tilespmem:s15+$0x0];
	v12 =	vsel vm0, v12, v13;
	v10 =	vsel vm0, v10, v11;
	v11 =	vsel vm1, $0xBF800000, v15  }
0x1d4: {  	v13 =	vadd.s32 $0x60, v9;
	vm1 =	vgt.f32 v36, v16;
	v15 =	vld [tilespmem:s17+$0xFFFFFFD0];
	[tilespmem:s0+$0x20] =	vst v11;
	vm0 =	vgt.f32 v11, v12  }
0x1d5: {  	v36 =	vld [tilespmem:s11+$0xFFFFFFF0];
	v11 =	vsel vm0, v11, v12;
	v10 =	vsel vm0, v13, v10;
	v12 =	vsel vm1, $0xBF800000, v14  }
0x1d6: {  	v16 =	vadd.s32 $0x70, v9;
	v14 =	vld [tilespmem:s12+$0xFFFFFFF0];
	[tilespmem:s0+$0x30] =	vst v12;
	vm0 =	vgt.f32 v12, v11  }
0x1d7: {  	v9 =	vadd.s32 $0x80, v9;
	v40 =	vld [tilespmem:s14+$0xFFFFFFF0];
	v13 =	vsel vm0, v12, v11;
	v12 =	vsel vm0, v16, v10  }
0x1d8: {  	v19 =	vadd.f32 v27, v8;
	v11 =	vadd.s32 $0x40, v9;
	v10 =	vadd.s32 $0x50, v9;
	v41 =	vld [tilespmem:s15+$0xFFFFFFF0]  }
0x1d9: {  	v18 =	vadd.f32 v28, v8;
	v28 =	vmax.f32 v4, v30;
	v16 =	vadd.f32 v29, v8;
	v27 =	vld [tilespmem:s17+$0xFFFFFFC0]  }
0x1da: {  	v42 =	vmin.f32 v6, v43;
	v43 =	vmin.f32 v7, v46;
	v30 =	vmax.f32 v5, v26;
	v29 =	vld [tilespmem:s11+$0xFFFFFFE0]  }
0x1db: {  	v45 =	vmax.f32 v4, v49;
	v34 =	vmax.f32 v5, v34;
	v21 =	vadd.f32 v47, v8;
	v44 =	vld [tilespmem:s12+$0xFFFFFFE0]  }
0x1dc: {  	v17 =	vadd.f32 v33, v8;
	v33 =	vmin.f32 v6, v38;
	v38 =	vmin.f32 v7, v24;
	v46 =	vld [tilespmem:s14+$0xFFFFFFE0]  }
0x1dd: {  	v48 =	vmax.f32 v4, v22;
	v32 =	vmax.f32 v5, v32;
	v37 =	vmin.f32 v6, v37;
	v47 =	vld [tilespmem:s15+$0xFFFFFFE0]  }
0x1de: {  	v25 =	vmin.f32 v7, v25;
	v22 =	vadd.f32 v31, v8;
	v23 =	vmax.f32 v4, v23;
	v49 =	vld [tilespmem:s11+$0xFFFFFFD0]  }
0x1df: {  	v35 =	vmax.f32 v5, v35;
	v20 =	vmin.f32 v6, v20;
	v39 =	vmin.f32 v7, v39;
	v31 =	vld [tilespmem:s12+$0xFFFFFFD0]  }
0x1e0: {  	v24 =	vadd.f32 v15, v8;
	v15 =	vmax.f32 v4, v36;
	v14 =	vmax.f32 v5, v14;
	v50 =	vld [tilespmem:s14+$0xFFFFFFD0]  }
0x1e1: {  	v36 =	vmin.f32 v6, v40;
	v40 =	vmin.f32 v7, v41;
	v26 =	vadd.f32 v27, v8;
	v27 =	vld [tilespmem:s15+$0xFFFFFFD0]  }
0x1e2: {  	v29 =	vmax.f32 v4, v29;
	v44 =	vmax.f32 v5, v44;
	v46 =	vmin.f32 v6, v46;
	v41 =	vld [tilespmem:s11+$0xFFFFFFC0]  }
0x1e3: {  	v42 =	vsub.f32 v42, v28;
	v47 =	vmin.f32 v7, v47;
	v51 =	vld [tilespmem:s12+$0xFFFFFFC0];
	v49 =	vmax.f32 v4, v49  }
0x1e4: {  	v43 =	vsub.f32 v43, v30;
	v45 =	vsub.f32 v33, v45;
	v52 =	vld [tilespmem:s14+$0xFFFFFFC0];
	v53 =	vmax.f32 v5, v31  }
0x1e5: {  	v48 =	vsub.f32 v37, v48;
	v54 =	vld [tilespmem:s15+$0xFFFFFFC0];
	v31 =	vmin.f32 v6, v50;
	v50 =	vsub.f32 v38, v34  }
0x1e6: {  	v56 =	vsub.f32 v25, v32;
	v55 =	vsub.f32 v20, v23;
	v27 =	vmin.f32 v7, v27  }
0x1e7: {  	s16 =	sadd.s32 $0x80, s16;
	v57 =	vsub.f32 v39, v35;
	v28 =	vsub.f32 v36, v15;
	v20 =	vmax.f32 v4, v41  }
0x1e8: {  	p1 =	slt.s32 s16, s31;
	s0 =	sadd.s32 $0x80, s0;
	v30 =	vsub.f32 v40, v14;
	v32 =	vsub.f32 v46, v29;
	v23 =	vmax.f32 v5, v51  }
.Ltmp24:
0x1e9: {  	v33 =	vsub.f32 v31, v49;
	v31 =	vsub.f32 v47, v44;
	v15 =	vmin.f32 v6, v52;
	v14 =	vld [tilespmem:s0+$0x30];
	(pc) =	sbr.rel @p1 .LBB2_35-.Ltmp24, $4  }
0x1ea: {  	v29 =	vsub.f32 v27, v53;
	v25 =	vmin.f32 v7, v54;
	v37 =	vsub.f32 v15, v20;
	v15 =	vld [tilespmem:s0+$0x20]  }
0x1eb: {  	v36 =	vmax.f32 v42, $0.0e+00;
	v38 =	vmax.f32 v43, $0.0e+00;
	v34 =	vsub.f32 v25, v23;
	v20 =	vld [tilespmem:s0+$0x10]  }
0x1ec: {  	v35 =	vmax.f32 v48, $0.0e+00;
	v41 =	vmax.f32 v45, $0.0e+00;
	v42 =	vmax.f32 v50, $0.0e+00;
	v23 =	vld [tilespmem:s0+$0x0]  }
0x1ed: {  	s17 =	sadd.s32 $0x80, s17;
	v39 =	vmax.f32 v55, $0.0e+00;
	v40 =	vmax.f32 v57, $0.0e+00;
	v43 =	vmax.f32 v56, $0.0e+00;
	v25 =	vld [tilespmem:s0+$0xFFFFFFF0]  }
.LBB2_36:
0x1ee: {  	v27 =	vmax.f32 v32, $0.0e+00  }
0x1ef: {  	v28 =	vmax.f32 v28, $0.0e+00;
	v30 =	vmax.f32 v30, $0.0e+00;
	v46 =	vmax.f32 v37, $0.0e+00  }
0x1f0: {  	v33 =	vmax.f32 v33, $0.0e+00;
	v31 =	vmax.f32 v31, $0.0e+00;
	v36 =	vmul.f32 v38, v36  }
0x1f1: {  	v47 =	vmul.f32 v42, v41;
	v48 =	vmul.f32 v43, v35;
	v34 =	vmax.f32 v34, $0.0e+00  }
0x1f2: {  	v49 =	vmul.f32 v40, v39;
	v29 =	vmax.f32 v29, $0.0e+00;
	v32 =	vmul.f32 v34, v46  }
0x1f3: {  	v27 =	vmul.f32 v31, v27;
	v19 =	vsub.f32 v19, v36;
	v18 =	vsub.f32 v18, v47  }
0x1f4: {  	v29 =	vmul.f32 v29, v33;
	v21 =	vsub.f32 v21, v49;
	v26 =	vsub.f32 v26, v32  }
0x1f5: {  	v28 =	vmul.f32 v30, v28;
	v16 =	vsub.f32 v16, v48;
	v22 =	vsub.f32 v22, v27  }
0x1f6: {  	v50 =	vld [tilespmem:s0+$0xFFFFFFC0];
	v51 =	vadd.s32 $0x30, v9;
	v24 =	vsub.f32 v24, v29;
	v26 =	vadd.f32 $9.999999710e-10, v26  }
0x1f7: {  	v52 =	vadd.s32 $0x20, v9;
	v17 =	vsub.f32 v17, v28;
	v19 =	vadd.f32 $9.999999710e-10, v19  }
0x1f8: {  	v53 =	vld [tilespmem:s0+$0xFFFFFFD0];
	v16 =	vadd.f32 $9.999999710e-10, v16;
	v24 =	vadd.f32 $9.999999710e-10, v24;
	v26 =	vmul.f32 $3.000000120e-01, v26  }
0x1f9: {  	v54 =	vadd.s32 $0x10, v9;
	v18 =	vadd.f32 $9.999999710e-10, v18;
	v21 =	vadd.f32 $9.999999710e-10, v21  }
0x1fa: {  	v55 =	vld [tilespmem:s0+$0xFFFFFFE0];
	v22 =	vadd.f32 $9.999999710e-10, v22;
	v24 =	vmul.f32 $3.000000120e-01, v24;
	vm0 =	vgt.f32 v32, v26  }
0x1fb: {  	v17 =	vadd.f32 $9.999999710e-10, v17;
	v56 =	vmul.f32 $3.000000120e-01, v21;
	v26 =	vsel vm0, $0xBF800000, v50  }
0x1fc: {  	v22 =	vmul.f32 $3.000000120e-01, v22;
	vm1 =	vgt.f32 v29, v24;
	vm0 =	vgt.f32 v26, v13  }
0x1fd: {  	v16 =	vmul.f32 $3.000000120e-01, v16;
	v24 =	vsel vm1, $0xBF800000, v53;
	v13 =	vsel vm0, v26, v13  }
0x1fe: {  	v17 =	vmul.f32 $3.000000120e-01, v17;
	vm2 =	vgt.f32 v27, v22;
	vm1 =	vgt.f32 v24, v13  }
0x1ff: {  	v58 =	vmul.f32 $3.000000120e-01, v18;
	v22 =	vsel vm2, $0xBF800000, v55;
	v13 =	vsel vm1, v24, v13  }
0x200: {  	v60 =	vmul.f32 $3.000000120e-01, v19;
	vm6 =	vgt.f32 v28, v17;
	vm5 =	vgt.f32 v22, v13  }
0x201: {  	vm8 =	vgt.f32 v49, v56;
	v57 =	vsel vm6, $0xBF800000, v25;
	v13 =	vsel vm5, v22, v13  }
0x202: {  	vm10 =	vgt.f32 v48, v16;
	vm12 =	vgt.f32 v47, v58;
	vm7 =	vgt.f32 v57, v13  }
0x203: {  	vm14 =	vgt.f32 v36, v60;
	v17 =	vsel vm8, $0xBF800000, v23;
	v13 =	vsel vm7, v57, v13  }
0x204: {  	v59 =	vsel vm10, $0xBF800000, v20;
	[tilespmem:s0+$0x0] =	vst v17;
	v12 =	vsel vm0, v9, v12;
	vm9 =	vgt.f32 v17, v13  }
0x205: {  	v62 =	vsel vm12, $0xBF800000, v15;
	[tilespmem:s0+$0x10] =	vst v59;
	v12 =	vsel vm1, v54, v12;
	v13 =	vsel vm9, v17, v13  }
0x206: {  	v14 =	vsel vm14, $0xBF800000, v14;
	[tilespmem:s0+$0x20] =	vst v62;
	v12 =	vsel vm5, v52, v12;
	vm11 =	vgt.f32 v59, v13  }
.Ltmp25:
0x207: {  	[tilespmem:s0+$0x30] =	vst v14;
	v12 =	vsel vm7, v51, v12;
	v61 =	vsel vm11, v59, v13;
	(pc) =	sbr.rel .LBB2_28-.Ltmp25, $4  }
0x208: {  	[tilespmem:s0+$0xFFFFFFE0] =	vst v22;
	v11 =	vsel vm9, v11, v12;
	vm13 =	vgt.f32 v62, v61  }
0x209: {  	[tilespmem:s0+$0xFFFFFFF0] =	vst v57;
	v10 =	vsel vm11, v10, v11;
	v11 =	vadd.s32 $0x60, v9;
	v12 =	vsel vm13, v62, v61  }
0x20a: {  	v63 =	vadd.s32 $0x70, v9;
	[tilespmem:s0+$0xFFFFFFC0] =	vst v26;
	v10 =	vsel vm13, v11, v10;
	vm15 =	vgt.f32 v14, v12  }
0x20b: {  	[tilespmem:s0+$0xFFFFFFD0] =	vst v24;
	v9 =	vadd.s32 $0x80, v9;
	v11 =	vsel vm15, v14, v12;
	v10 =	vsel vm15, v63, v10  }
.LBB2_27:
0x20c: {  	v9 =	vlaneseq.u32;
	v10 =	vimm.s32 $0x0;
	v11 =	vimm.f32 $-2.000000000e+00  }
.LBB2_28:
0x20d: {  	p1 =	seq.s32 s31, s30  }
.Ltmp26:
0x20e: {  	_ = 	snop;
	(pc) =	sbr.rel @p1 .LBB2_31-.Ltmp26, $1  }
0x20f: {  	_ =	sdelay $0x3  }
0x210: {  	s0 =	sshll.u32 s1, $0x6  }
0x211: {  	s0 =	sshra.s32 s0, $0x2  }
0x212: {  	s15 =	sand.u32 $0xFFFFFF80, s0  }
0x213: {  	s0 =	sadd.s32 $0xF000, s15;
	s1 =	sadd.s32 $0xDC00, s15;
	s11 =	sadd.s32 $0xC800, s15  }
0x214: {  	s12 =	sadd.s32 $0xB400, s15;
	s14 =	sadd.s32 $0xA000, s15;
	s15 =	sadd.s32 $0x8C00, s15  }
.LBB2_30:
0x215: {  	v12 =	vld [tilespmem:s14+$0x0]  }
0x216: {  	v13 =	vld [tilespmem:s12+$0x0]  }
0x217: {  	v14 =	vld [tilespmem:s11+$0x0]  }
0x218: {  	v15 =	vld [tilespmem:s1+$0x0];
	_ =	sdelay $0x3  }
0x219: {  	v16 =	vld [tilespmem:s0+$0x0];
	v12 =	vmax.f32 v4, v12  }
0x21a: {  	v13 =	vmax.f32 v5, v13;
	v14 =	vmin.f32 v6, v14;
	v15 =	vmin.f32 v7, v15  }
0x21b: {  	v12 =	vsub.f32 v14, v12;
	v13 =	vsub.f32 v15, v13;
	_ =	sdelay $0x1  }
0x21c: {  	v12 =	vmax.f32 v12, $0.0e+00;
	v13 =	vmax.f32 v13, $0.0e+00  }
0x21d: {  	v62 =	vadd.f32 v16, v8;
	v12 =	vmul.f32 v13, v12;
	_ =	sdelay $0x1  }
0x21e: {  	v13 =	vsub.f32 v62, v12;
	_ =	sdelay $0x1  }
0x21f: {  	v63 =	vld [tilespmem:s15+$0x0];
	v13 =	vadd.f32 $9.999999710e-10, v13  }
0x220: {  	s31 =	sadd.s32 $0x10, s31  }
0x221: {  	p1 =	slt.s32 s31, s30;
	v13 =	vmul.f32 $3.000000120e-01, v13  }
.Ltmp27:
0x222: {  	_ = 	snop;
	(pc) =	sbr.rel @p1 .LBB2_30-.Ltmp27, $4  }
0x223: {  	vm0 =	vgt.f32 v12, v13  }
0x224: {  	v12 =	vsel vm0, $0xBF800000, v63  }
0x225: {  	s0 =	sadd.s32 $0x10, s0;
	s1 =	sadd.s32 $0x10, s1;
	s11 =	sadd.s32 $0x10, s11;
	vm0 =	vgt.f32 v12, v11  }
0x226: {  	s12 =	sadd.s32 $0x10, s12;
	s14 =	sadd.s32 $0x10, s14;
	[tilespmem:s15+$0x0] =	vst v12;
	s15 =	sadd.s32 $0x10, s15;
	v10 =	vsel vm0, v9, v10;
	v11 =	vsel vm0, v12, v11;
	v9 =	vadd.s32 $0x10, v9  }
.Ltmp28:
0x227: {  	_ = 	snop;
	(pc) =	sbr.rel .LBB2_31-.Ltmp28, $1  }
0x228: {  	_ =	sdelay $0x3  }
.LBB2_33:
0x229: {  	_ =	sfence.sel $0x180000  }
0x22a: {  	[bflag:$0x0] =	sbarrier.arrive $0xFFFF  }
0x22b: {  	_ =	strace $0x90000047  }
0x22c: {  	s0 =	stileid.u32;
	[bflag:$0x2] =	sbarrier.arrive $0xFFFF  }
0x22d: {  	p0 =	sne.s32 s0, $0x0;
	s0 =	rddreg [dreg:$0x2]  }
0x22e: {  	s0 =	sadd.s32 @!p0 $0x100000, s0  }
0x22f: {  	[sflag:s0] =	ssyncadd.tile.s32 @!p0 $0x1;
	_ =	shalt  }
.Lfunc_end2:
_tile_overlayer_lowered:
.L_overlay_start_2:
0x230: {  	(tag) =	ssettag $0x2  }
0x231: {  	s0 =	rddreg [dreg:$0x0];
	s2 =	stileid.u32  }
0x232: {  	s1 =	rddreg [dreg:$0x1];
	p0 =	sne.s32 s2, $0x0  }
0x233: {  	s3 =	rddreg [dreg:$0x2];
	[bflag:$0x3] =	sbarrier.arrive $0xFFFF;
	s2 =	simm.s32 @!p0 $0x1C01  }
0x234: {  	[timem:s3], [sflag:s2] =	dma.local @!p0 [hbm:s0], s1  }
0x235: {  	s0 =	simm.s32 @!p0 $0x1  }
0x236: {  	_ =	swait.ge @!p0 [sflag:s0], s1  }
0x237: {  	s1 =	ssub.s32 @!p0 $0x0, s1;
	[sflag:s0] =	ssyncset.done @!p0 $0x0  }
0x238: {  	[sflag:s0] =	ssyncadd.s32 @!p0 s1  }
0x239: {  	[bflag:$0x3] =	sbarrier.arrive $0xFFFF  }
0x23a: {  	_ =	shalt  }

</sc_bundles>
